<compile_context>
chip_gen: v7x
topology: tpu7x:2x2x1
jax: 0.10.2.dev20260603
libtpu: 0.0.44.dev20260713+nightly
codegen_flags: <defaults>
</compile_context>

<pallas_src>
import jax
import jax.numpy as jnp
from jax import lax
from jax.experimental import pallas as pl
from jax.experimental.pallas import tpu as pltpu
from jax.experimental.pallas import tpu_sc as plsc

NUM_ATOMS = 100000
ACC_ROWS = NUM_ATOMS
NC = 2
NS = 16
NW = NC * NS
L = 16
B = 2000
ROW_PAD = 8
ROWS_PER_TILE = ACC_ROWS // NS


def _cv_kernel(x_hbm, y_hbm, z_hbm, idx_hbm, zero_hbm, out_hbm,
               xa, ya, za, ia, va, xb, yb, zb, ib, vb, acc,
               sem_in_a, sem_in_b, sem_add_a, sem_add_b):
    cid = lax.axis_index("c")
    sid = lax.axis_index("s")
    wid = cid * NS + sid

    n_edges = idx_hbm.shape[0]
    per_tile = n_edges // NW
    n2 = per_tile // (2 * B)

    pltpu.sync_copy(zero_hbm, acc.at[pl.ds(sid * ROWS_PER_TILE, ROWS_PER_TILE)])
    pltpu.sync_copy(zero_hbm.at[pl.ds(0, B)], va)
    pltpu.sync_copy(zero_hbm.at[pl.ds(0, B)], vb)
    plsc.subcore_barrier()

    iota = lax.iota(jnp.int32, L)
    col0 = iota * 0
    col1 = col0 + 1
    magic = jnp.int32(0x5F3759DF)
    c_half = jnp.float32(0.5)
    c_3half = jnp.float32(1.5)

    def start_in(k, xr, yr, zr, ir, sem):
        e0 = wid * per_tile + k * B
        pltpu.make_async_copy(x_hbm.at[pl.ds(e0, B)], xr, sem).start()
        pltpu.make_async_copy(y_hbm.at[pl.ds(e0, B)], yr, sem).start()
        pltpu.make_async_copy(z_hbm.at[pl.ds(e0, B)], zr, sem).start()
        pltpu.make_async_copy(idx_hbm.at[pl.ds(e0, B)], ir, sem).start()

    def wait_in(xr, yr, zr, ir, sem):
        pltpu.make_async_copy(x_hbm.at[pl.ds(0, B)], xr, sem).wait()
        pltpu.make_async_copy(y_hbm.at[pl.ds(0, B)], yr, sem).wait()
        pltpu.make_async_copy(z_hbm.at[pl.ds(0, B)], zr, sem).wait()
        pltpu.make_async_copy(idx_hbm.at[pl.ds(0, B)], ir, sem).wait()

    def compute(xr, yr, zr, vr):
        @plsc.parallel_loop(0, B // L, unroll=4)
        def _(j):
            sl = pl.ds(j * L, L)
            ex = xr[sl]
            ey = yr[sl]
            ez = zr[sl]
            s = ex * ex + ey * ey + ez * ez
            half_s = s * c_half
            y = plsc.bitcast(magic - (plsc.bitcast(s, jnp.int32) >> 1),
                             jnp.float32)
            y = y * (c_3half - half_s * y * y)
            y = y * (c_3half - half_s * y * y)
            y = y * (c_3half - half_s * y * y)
            rows16 = j * L + iota
            plsc.store_scatter(vr, [rows16, col0], y)
            plsc.store_scatter(vr, [rows16, col1], y * y)

    def start_add(vr, ir, sem):
        pltpu.make_async_copy(vr, acc.at[ir], sem).start(add=True)

    def wait_add(vr, ir, sem):
        pltpu.make_async_copy(vr, acc.at[ir], sem).wait()

    start_in(0, xa, ya, za, ia, sem_in_a)

    def body(k, carry):
        @pl.when(k > 0)
        def _():
            wait_add(vb, ib, sem_add_b)
        start_in(2 * k + 1, xb, yb, zb, ib, sem_in_b)
        wait_in(xa, ya, za, ia, sem_in_a)
        compute(xa, ya, za, va)
        start_add(va, ia, sem_add_a)
        wait_in(xb, yb, zb, ib, sem_in_b)
        compute(xb, yb, zb, vb)
        wait_add(va, ia, sem_add_a)

        @pl.when(k < n2 - 1)
        def _():
            start_in(2 * k + 2, xa, ya, za, ia, sem_in_a)
        start_add(vb, ib, sem_add_b)
        return carry

    lax.fori_loop(0, n2, body, None)
    wait_add(vb, ib, sem_add_b)

    plsc.subcore_barrier()

    @pl.when(sid == 0)
    def _():
        pltpu.sync_copy(acc, out_hbm.at[cid])


def kernel(neighbor_vectors, first_atom, n_atoms):
    del n_atoms
    n_edges = first_atom.shape[0]
    assert n_edges % (NW * 2 * B) == 0

    xs = neighbor_vectors[:, 0]
    ys = neighbor_vectors[:, 1]
    zs = neighbor_vectors[:, 2]
    zero_rows = jnp.zeros((ROWS_PER_TILE, ROW_PAD), jnp.float32)

    mesh = plsc.VectorSubcoreMesh(
        core_axis_name="c", subcore_axis_name="s", num_cores=NC,
        num_subcores=NS)
    partial = pl.kernel(
        _cv_kernel,
        out_type=jax.ShapeDtypeStruct((NC, ACC_ROWS, ROW_PAD), jnp.float32),
        mesh=mesh,
        scratch_types=[
            pltpu.VMEM((B,), jnp.float32),
            pltpu.VMEM((B,), jnp.float32),
            pltpu.VMEM((B,), jnp.float32),
            pltpu.VMEM((B,), jnp.int32),
            pltpu.VMEM((B, ROW_PAD), jnp.float32),
            pltpu.VMEM((B,), jnp.float32),
            pltpu.VMEM((B,), jnp.float32),
            pltpu.VMEM((B,), jnp.float32),
            pltpu.VMEM((B,), jnp.int32),
            pltpu.VMEM((B, ROW_PAD), jnp.float32),
            pltpu.VMEM_SHARED((ACC_ROWS, ROW_PAD), jnp.float32),
            pltpu.SemaphoreType.DMA,
            pltpu.SemaphoreType.DMA,
            pltpu.SemaphoreType.DMA,
            pltpu.SemaphoreType.DMA,
        ],
        compiler_params=pltpu.CompilerParams(
            needs_layout_passes=False, use_tc_tiling_on_sc=False),
    )(xs, ys, zs, first_atom, zero_rows)
    return (partial[0] + partial[1])[:, :2]

# --- scband reference (transcript-rebuilt; emitter-appended) ---
"""Pipeline reference for scband-test-collective-variable-56556129353734 (READ-ONLY COPY).

The authoritative reference and input builder live on the scoring server;
editing this copy changes nothing except your own understanding.
"""

import jax, jax.numpy as jnp
import numpy as np


def setup_inputs(seed: int = 0) -> dict:
    key = jax.random.key(seed)
    k1, k2 = jax.random.split(key)
    N = 100000
    E = 6400000
    neighbor_vectors = jax.random.normal(k1, (E, 3), dtype=jnp.float32)
    first_atom = jax.random.randint(k2, (E,), 0, N, dtype=jnp.int32)
    return {"neighbor_vectors": neighbor_vectors, "first_atom": first_atom, "n_atoms": N}


def reference(neighbor_vectors, first_atom, n_atoms):
    # Faithful translation of TestCollectiveVariable.forward for a single
    # system with per_atom=True and multiple_properties=True.
    # distances = ||r_ij||; CV^1_i = sum_j 1/r_ij ; CV^2_i = sum_j 1/r_ij^2
    NUM_SEGMENTS = 100000
    n_atoms = jnp.asarray(n_atoms, dtype=jnp.int32)
    segment_ids = first_atom + (n_atoms - n_atoms)
    distances = jnp.linalg.norm(neighbor_vectors.reshape(-1, 3), axis=1)
    inv_dist = 1.0 / distances
    cv1 = jax.ops.segment_sum(inv_dist, segment_ids, num_segments=NUM_SEGMENTS)
    cv2 = jax.ops.segment_sum(inv_dist * inv_dist, segment_ids, num_segments=NUM_SEGMENTS)
    values = jnp.stack([cv1, cv2], axis=1).astype(jnp.float32)
    return values

if __name__ == "__main__":
    import jax
    _d = setup_inputs()
    print(jax.jit(kernel)(*tuple(_d.values())))

</pallas_src>

<mosaic_0001>
#map = affine_map<(d0, d1) -> (0)>
#map1 = affine_map<(d0, d1) -> (0, 0)>
#map2 = affine_map<(d0, d1) -> (0, 0, 0)>
module attributes {stable_mosaic.version = 14 : i64} {
  func.func @_cv_kernel(%arg0: i32, %arg1: i32, %arg2: memref<6400000xf32, #tpu.memory_space<hbm>>, %arg3: memref<6400000xf32, #tpu.memory_space<hbm>>, %arg4: memref<6400000xf32, #tpu.memory_space<hbm>>, %arg5: memref<6400000xi32, #tpu.memory_space<hbm>>, %arg6: memref<6250x8xf32, #tpu.memory_space<hbm>>, %arg7: memref<2x100000x8xf32, #tpu.memory_space<hbm>>, %arg8: memref<2000xf32, #tpu.memory_space<vmem>>, %arg9: memref<2000xf32, #tpu.memory_space<vmem>>, %arg10: memref<2000xf32, #tpu.memory_space<vmem>>, %arg11: memref<2000xi32, #tpu.memory_space<vmem>>, %arg12: memref<2000x8xf32, #tpu.memory_space<vmem>>, %arg13: memref<2000xf32, #tpu.memory_space<vmem>>, %arg14: memref<2000xf32, #tpu.memory_space<vmem>>, %arg15: memref<2000xf32, #tpu.memory_space<vmem>>, %arg16: memref<2000xi32, #tpu.memory_space<vmem>>, %arg17: memref<2000x8xf32, #tpu.memory_space<vmem>>, %arg18: memref<100000x8xf32, #tpu.memory_space<vmem_shared>>, %arg19: memref<!tpu.dma_semaphore, #tpu.memory_space<semaphore_mem>>, %arg20: memref<!tpu.dma_semaphore, #tpu.memory_space<semaphore_mem>>, %arg21: memref<!tpu.dma_semaphore, #tpu.memory_space<semaphore_mem>>, %arg22: memref<!tpu.dma_semaphore, #tpu.memory_space<semaphore_mem>>) attributes {dimension_semantics = [#tpu.dimension_semantics<core_parallel>, #tpu.dimension_semantics<subcore_parallel>], iteration_bounds = array<i64: 2, 16>, scalar_prefetch = 0 : i64, scratch_operands = 15 : i64, tpu.core_type = #tpu.core_type<sc_vector_subcore>, window_params = [{transform_indices = #map}, {transform_indices = #map}, {transform_indices = #map}, {transform_indices = #map}, {transform_indices = #map1}, {transform_indices = #map2}]} {
    %mul3A = arith.constant 16 : i32
    %mul3A_0 = arith.muli %arg0, %mul3A : i32
    %add3A = arith.addi %mul3A_0, %arg1 : i32
    %mul3A_1 = arith.constant 6250 : i32
    %mul3A_2 = arith.muli %arg1, %mul3A_1 : i32
    "tpu.region"() ({
      %run_scoped3A = tpu.sem_alloc : memref<!tpu.dma_semaphore, #tpu.memory_space<semaphore_mem>>
      %dma_start3A_32 = arith.constant 0 : i32
      %dma_start3A_33 = tpu.memref_slice %arg18[%mul3A_2, %dma_start3A_32] : memref<100000x8xf32, #tpu.memory_space<vmem_shared>> -> memref<6250x8xf32, #tpu.memory_space<vmem_shared>>
      tpu.enqueue_dma source(%arg6 : memref<6250x8xf32, #tpu.memory_space<hbm>>) target(%dma_start3A_33 : memref<6250x8xf32, #tpu.memory_space<vmem_shared>>) target_semaphore(%run_scoped3A : memref<!tpu.dma_semaphore, #tpu.memory_space<semaphore_mem>>)
      %dma_wait3A_34 = arith.constant 0 : i32
      %dma_wait3A_35 = tpu.memref_slice %arg18[%mul3A_2, %dma_wait3A_34] : memref<100000x8xf32, #tpu.memory_space<vmem_shared>> -> memref<6250x8xf32, #tpu.memory_space<vmem_shared>>
      tpu.wait_dma2 semaphore(%run_scoped3A : memref<!tpu.dma_semaphore, #tpu.memory_space<semaphore_mem>>) src(%arg6 : memref<6250x8xf32, #tpu.memory_space<hbm>>) dst(%dma_wait3A_35 : memref<6250x8xf32, #tpu.memory_space<vmem_shared>>)
      tpu.yield
    }) : () -> ()
    "tpu.region"() ({
      %run_scoped3A = tpu.sem_alloc : memref<!tpu.dma_semaphore, #tpu.memory_space<semaphore_mem>>
      %dma_start3A_32 = arith.constant 0 : i32
      %dma_start3A_33 = arith.constant 0 : i32
      %dma_start3A_34 = tpu.memref_slice %arg6[%dma_start3A_32, %dma_start3A_33] : memref<6250x8xf32, #tpu.memory_space<hbm>> -> memref<2000x8xf32, #tpu.memory_space<hbm>>
      %dma_start3A_35 = arith.constant 0 : i32
      %dma_start3A_36 = arith.constant 0 : i32
      %dma_start3A_37 = tpu.memref_slice %arg6[%dma_start3A_35, %dma_start3A_36] : memref<6250x8xf32, #tpu.memory_space<hbm>> -> memref<2000x8xf32, #tpu.memory_space<hbm>>
      tpu.enqueue_dma source(%dma_start3A_37 : memref<2000x8xf32, #tpu.memory_space<hbm>>) target(%arg12 : memref<2000x8xf32, #tpu.memory_space<vmem>>) target_semaphore(%run_scoped3A : memref<!tpu.dma_semaphore, #tpu.memory_space<semaphore_mem>>)
      %dma_wait3A_38 = arith.constant 0 : i32
      %dma_wait3A_39 = arith.constant 0 : i32
      %dma_wait3A_40 = tpu.memref_slice %arg6[%dma_wait3A_38, %dma_wait3A_39] : memref<6250x8xf32, #tpu.memory_space<hbm>> -> memref<2000x8xf32, #tpu.memory_space<hbm>>
      %dma_wait3A_41 = arith.constant 0 : i32
      %dma_wait3A_42 = arith.constant 0 : i32
      %dma_wait3A_43 = tpu.memref_slice %arg6[%dma_wait3A_41, %dma_wait3A_42] : memref<6250x8xf32, #tpu.memory_space<hbm>> -> memref<2000x8xf32, #tpu.memory_space<hbm>>
      tpu.wait_dma2 semaphore(%run_scoped3A : memref<!tpu.dma_semaphore, #tpu.memory_space<semaphore_mem>>) src(%dma_wait3A_43 : memref<2000x8xf32, #tpu.memory_space<hbm>>) dst(%arg12 : memref<2000x8xf32, #tpu.memory_space<vmem>>)
      tpu.yield
    }) : () -> ()
    "tpu.region"() ({
      %run_scoped3A = tpu.sem_alloc : memref<!tpu.dma_semaphore, #tpu.memory_space<semaphore_mem>>
      %dma_start3A_32 = arith.constant 0 : i32
      %dma_start3A_33 = arith.constant 0 : i32
      %dma_start3A_34 = tpu.memref_slice %arg6[%dma_start3A_32, %dma_start3A_33] : memref<6250x8xf32, #tpu.memory_space<hbm>> -> memref<2000x8xf32, #tpu.memory_space<hbm>>
      %dma_start3A_35 = arith.constant 0 : i32
      %dma_start3A_36 = arith.constant 0 : i32
      %dma_start3A_37 = tpu.memref_slice %arg6[%dma_start3A_35, %dma_start3A_36] : memref<6250x8xf32, #tpu.memory_space<hbm>> -> memref<2000x8xf32, #tpu.memory_space<hbm>>
      tpu.enqueue_dma source(%dma_start3A_37 : memref<2000x8xf32, #tpu.memory_space<hbm>>) target(%arg17 : memref<2000x8xf32, #tpu.memory_space<vmem>>) target_semaphore(%run_scoped3A : memref<!tpu.dma_semaphore, #tpu.memory_space<semaphore_mem>>)
      %dma_wait3A_38 = arith.constant 0 : i32
      %dma_wait3A_39 = arith.constant 0 : i32
      %dma_wait3A_40 = tpu.memref_slice %arg6[%dma_wait3A_38, %dma_wait3A_39] : memref<6250x8xf32, #tpu.memory_space<hbm>> -> memref<2000x8xf32, #tpu.memory_space<hbm>>
      %dma_wait3A_41 = arith.constant 0 : i32
      %dma_wait3A_42 = arith.constant 0 : i32
      %dma_wait3A_43 = tpu.memref_slice %arg6[%dma_wait3A_41, %dma_wait3A_42] : memref<6250x8xf32, #tpu.memory_space<hbm>> -> memref<2000x8xf32, #tpu.memory_space<hbm>>
      tpu.wait_dma2 semaphore(%run_scoped3A : memref<!tpu.dma_semaphore, #tpu.memory_space<semaphore_mem>>) src(%dma_wait3A_43 : memref<2000x8xf32, #tpu.memory_space<hbm>>) dst(%arg17 : memref<2000x8xf32, #tpu.memory_space<vmem>>)
      tpu.yield
    }) : () -> ()
    %barrier3A = arith.constant 0 : index
    tpu.barrier barrier_id(%barrier3A)
    %iota3A = tpu.iota {dimensions = array<i32: 0>} : vector<16xi32>
    %mul3A_3 = arith.constant 0 : i32
    %mul3A_4 = vector.broadcast %mul3A_3 : i32 to vector<16xi32>
    %mul3A_5 = arith.muli %iota3A, %mul3A_4 : vector<16xi32>
    %add3A_6 = arith.constant 1 : i32
    %add3A_7 = vector.broadcast %add3A_6 : i32 to vector<16xi32>
    %add3A_8 = arith.addi %mul3A_5, %add3A_7 : vector<16xi32>
    %mul3A_9 = arith.constant 200000 : i32
    %mul3A_10 = arith.muli %add3A, %mul3A_9 : i32
    %add3A_11 = arith.constant 0 : i32
    %add3A_12 = arith.addi %mul3A_10, %add3A_11 : i32
    %dma_start3A = tpu.memref_slice %arg2[%add3A_12] : memref<6400000xf32, #tpu.memory_space<hbm>> -> memref<2000xf32, #tpu.memory_space<hbm>>
    %dma_start3A_13 = tpu.memref_slice %arg2[%add3A_12] : memref<6400000xf32, #tpu.memory_space<hbm>> -> memref<2000xf32, #tpu.memory_space<hbm>>
    tpu.enqueue_dma source(%dma_start3A_13 : memref<2000xf32, #tpu.memory_space<hbm>>) target(%arg8 : memref<2000xf32, #tpu.memory_space<vmem>>) target_semaphore(%arg19 : memref<!tpu.dma_semaphore, #tpu.memory_space<semaphore_mem>>)
    %dma_start3A_14 = tpu.memref_slice %arg3[%add3A_12] : memref<6400000xf32, #tpu.memory_space<hbm>> -> memref<2000xf32, #tpu.memory_space<hbm>>
    %dma_start3A_15 = tpu.memref_slice %arg3[%add3A_12] : memref<6400000xf32, #tpu.memory_space<hbm>> -> memref<2000xf32, #tpu.memory_space<hbm>>
    tpu.enqueue_dma source(%dma_start3A_15 : memref<2000xf32, #tpu.memory_space<hbm>>) target(%arg9 : memref<2000xf32, #tpu.memory_space<vmem>>) target_semaphore(%arg19 : memref<!tpu.dma_semaphore, #tpu.memory_space<semaphore_mem>>)
    %dma_start3A_16 = tpu.memref_slice %arg4[%add3A_12] : memref<6400000xf32, #tpu.memory_space<hbm>> -> memref<2000xf32, #tpu.memory_space<hbm>>
    %dma_start3A_17 = tpu.memref_slice %arg4[%add3A_12] : memref<6400000xf32, #tpu.memory_space<hbm>> -> memref<2000xf32, #tpu.memory_space<hbm>>
    tpu.enqueue_dma source(%dma_start3A_17 : memref<2000xf32, #tpu.memory_space<hbm>>) target(%arg10 : memref<2000xf32, #tpu.memory_space<vmem>>) target_semaphore(%arg19 : memref<!tpu.dma_semaphore, #tpu.memory_space<semaphore_mem>>)
    %dma_start3A_18 = tpu.memref_slice %arg5[%add3A_12] : memref<6400000xi32, #tpu.memory_space<hbm>> -> memref<2000xi32, #tpu.memory_space<hbm>>
    %dma_start3A_19 = tpu.memref_slice %arg5[%add3A_12] : memref<6400000xi32, #tpu.memory_space<hbm>> -> memref<2000xi32, #tpu.memory_space<hbm>>
    tpu.enqueue_dma source(%dma_start3A_19 : memref<2000xi32, #tpu.memory_space<hbm>>) target(%arg11 : memref<2000xi32, #tpu.memory_space<vmem>>) target_semaphore(%arg19 : memref<!tpu.dma_semaphore, #tpu.memory_space<semaphore_mem>>)
    %scan3A = arith.constant 5.000000e-01 : f32
    %scan3A_20 = arith.constant 1597463007 : i32
    %scan3A_21 = arith.constant 1.500000e+00 : f32
    %scan3A_22 = arith.constant 0 : i32
    %scan3A_23 = arith.constant 50 : i32
    %scan3A_24 = arith.addi %scan3A_22, %scan3A_23 : i32
    %scan3A_25 = arith.constant 1 : i32
    scf.for %scan3A_32 = %scan3A_22 to %scan3A_24 step %scan3A_25  : i32 {
      %gt3A = arith.constant 0 : i32
      %gt3A_33 = arith.cmpi sgt, %scan3A_32, %gt3A : i32
      %convert_element_type3A_34 = arith.extui %gt3A_33 : i1 to i32
      %cond3A_35 = arith.constant 0 : i32
      %cond3A_36 = arith.cmpi ne, %convert_element_type3A_34, %cond3A_35 : i32
      scf.if %cond3A_36 {
        %dma_wait3A_104 = arith.constant 0 : i32
        %dma_wait3A_105 = arith.constant 0 : i32
        %dma_wait3A_106 = tpu.memref_slice %arg18[%dma_wait3A_104, %dma_wait3A_105] : memref<100000x8xf32, #tpu.memory_space<vmem_shared>> -> memref<100000x8xf32, #tpu.memory_space<vmem_shared>>
        tpu.wait_indirect_dma semaphore(%arg22 : memref<!tpu.dma_semaphore, #tpu.memory_space<semaphore_mem>>) src(%arg17 : memref<2000x8xf32, #tpu.memory_space<vmem>>) dst(%dma_wait3A_106 : memref<100000x8xf32, #tpu.memory_space<vmem_shared>>)
      } else {
      }
      %mul3A_37 = arith.constant 2 : i32
      %mul3A_38 = arith.muli %mul3A_37, %scan3A_32 : i32
      %add3A_39 = arith.constant 1 : i32
      %add3A_40 = arith.addi %mul3A_38, %add3A_39 : i32
      %mul3A_41 = arith.constant 200000 : i32
      %mul3A_42 = arith.muli %add3A, %mul3A_41 : i32
      %mul3A_43 = arith.constant 2000 : i32
      %mul3A_44 = arith.muli %add3A_40, %mul3A_43 : i32
      %add3A_45 = arith.addi %mul3A_42, %mul3A_44 : i32
      %dma_start3A_46 = tpu.memref_slice %arg2[%add3A_45] : memref<6400000xf32, #tpu.memory_space<hbm>> -> memref<2000xf32, #tpu.memory_space<hbm>>
      %dma_start3A_47 = tpu.memref_slice %arg2[%add3A_45] : memref<6400000xf32, #tpu.memory_space<hbm>> -> memref<2000xf32, #tpu.memory_space<hbm>>
      tpu.enqueue_dma source(%dma_start3A_47 : memref<2000xf32, #tpu.memory_space<hbm>>) target(%arg13 : memref<2000xf32, #tpu.memory_space<vmem>>) target_semaphore(%arg20 : memref<!tpu.dma_semaphore, #tpu.memory_space<semaphore_mem>>)
      %dma_start3A_48 = tpu.memref_slice %arg3[%add3A_45] : memref<6400000xf32, #tpu.memory_space<hbm>> -> memref<2000xf32, #tpu.memory_space<hbm>>
      %dma_start3A_49 = tpu.memref_slice %arg3[%add3A_45] : memref<6400000xf32, #tpu.memory_space<hbm>> -> memref<2000xf32, #tpu.memory_space<hbm>>
      tpu.enqueue_dma source(%dma_start3A_49 : memref<2000xf32, #tpu.memory_space<hbm>>) target(%arg14 : memref<2000xf32, #tpu.memory_space<vmem>>) target_semaphore(%arg20 : memref<!tpu.dma_semaphore, #tpu.memory_space<semaphore_mem>>)
      %dma_start3A_50 = tpu.memref_slice %arg4[%add3A_45] : memref<6400000xf32, #tpu.memory_space<hbm>> -> memref<2000xf32, #tpu.memory_space<hbm>>
      %dma_start3A_51 = tpu.memref_slice %arg4[%add3A_45] : memref<6400000xf32, #tpu.memory_space<hbm>> -> memref<2000xf32, #tpu.memory_space<hbm>>
      tpu.enqueue_dma source(%dma_start3A_51 : memref<2000xf32, #tpu.memory_space<hbm>>) target(%arg15 : memref<2000xf32, #tpu.memory_space<vmem>>) target_semaphore(%arg20 : memref<!tpu.dma_semaphore, #tpu.memory_space<semaphore_mem>>)
      %dma_start3A_52 = tpu.memref_slice %arg5[%add3A_45] : memref<6400000xi32, #tpu.memory_space<hbm>> -> memref<2000xi32, #tpu.memory_space<hbm>>
      %dma_start3A_53 = tpu.memref_slice %arg5[%add3A_45] : memref<6400000xi32, #tpu.memory_space<hbm>> -> memref<2000xi32, #tpu.memory_space<hbm>>
      tpu.enqueue_dma source(%dma_start3A_53 : memref<2000xi32, #tpu.memory_space<hbm>>) target(%arg16 : memref<2000xi32, #tpu.memory_space<vmem>>) target_semaphore(%arg20 : memref<!tpu.dma_semaphore, #tpu.memory_space<semaphore_mem>>)
      %dma_wait3A_54 = arith.constant 0 : i32
      %dma_wait3A_55 = tpu.memref_slice %arg2[%dma_wait3A_54] : memref<6400000xf32, #tpu.memory_space<hbm>> -> memref<2000xf32, #tpu.memory_space<hbm>>
      %dma_wait3A_56 = arith.constant 0 : i32
      %dma_wait3A_57 = tpu.memref_slice %arg2[%dma_wait3A_56] : memref<6400000xf32, #tpu.memory_space<hbm>> -> memref<2000xf32, #tpu.memory_space<hbm>>
      tpu.wait_dma2 semaphore(%arg19 : memref<!tpu.dma_semaphore, #tpu.memory_space<semaphore_mem>>) src(%dma_wait3A_57 : memref<2000xf32, #tpu.memory_space<hbm>>) dst(%arg8 : memref<2000xf32, #tpu.memory_space<vmem>>)
      %dma_wait3A_58 = arith.constant 0 : i32
      %dma_wait3A_59 = tpu.memref_slice %arg3[%dma_wait3A_58] : memref<6400000xf32, #tpu.memory_space<hbm>> -> memref<2000xf32, #tpu.memory_space<hbm>>
      %dma_wait3A_60 = arith.constant 0 : i32
      %dma_wait3A_61 = tpu.memref_slice %arg3[%dma_wait3A_60] : memref<6400000xf32, #tpu.memory_space<hbm>> -> memref<2000xf32, #tpu.memory_space<hbm>>
      tpu.wait_dma2 semaphore(%arg19 : memref<!tpu.dma_semaphore, #tpu.memory_space<semaphore_mem>>) src(%dma_wait3A_61 : memref<2000xf32, #tpu.memory_space<hbm>>) dst(%arg9 : memref<2000xf32, #tpu.memory_space<vmem>>)
      %dma_wait3A_62 = arith.constant 0 : i32
      %dma_wait3A_63 = tpu.memref_slice %arg4[%dma_wait3A_62] : memref<6400000xf32, #tpu.memory_space<hbm>> -> memref<2000xf32, #tpu.memory_space<hbm>>
      %dma_wait3A_64 = arith.constant 0 : i32
      %dma_wait3A_65 = tpu.memref_slice %arg4[%dma_wait3A_64] : memref<6400000xf32, #tpu.memory_space<hbm>> -> memref<2000xf32, #tpu.memory_space<hbm>>
      tpu.wait_dma2 semaphore(%arg19 : memref<!tpu.dma_semaphore, #tpu.memory_space<semaphore_mem>>) src(%dma_wait3A_65 : memref<2000xf32, #tpu.memory_space<hbm>>) dst(%arg10 : memref<2000xf32, #tpu.memory_space<vmem>>)
      %dma_wait3A_66 = arith.constant 0 : i32
      %dma_wait3A_67 = tpu.memref_slice %arg5[%dma_wait3A_66] : memref<6400000xi32, #tpu.memory_space<hbm>> -> memref<2000xi32, #tpu.memory_space<hbm>>
      %dma_wait3A_68 = arith.constant 0 : i32
      %dma_wait3A_69 = tpu.memref_slice %arg5[%dma_wait3A_68] : memref<6400000xi32, #tpu.memory_space<hbm>> -> memref<2000xi32, #tpu.memory_space<hbm>>
      tpu.wait_dma2 semaphore(%arg19 : memref<!tpu.dma_semaphore, #tpu.memory_space<semaphore_mem>>) src(%dma_wait3A_69 : memref<2000xi32, #tpu.memory_space<hbm>>) dst(%arg11 : memref<2000xi32, #tpu.memory_space<vmem>>)
      %parallel_loop3A = arith.constant 0 : i32
      %parallel_loop3A_70 = arith.constant 125 : i32
      %parallel_loop3A_71 = arith.constant 1 : i32
      scf.for %parallel_loop3A_104 = %parallel_loop3A to %parallel_loop3A_70 step %parallel_loop3A_71  : i32 {
        %parallel_loop3A_105 = arith.constant 16 : i32
        %parallel_loop3A_106 = arith.muli %parallel_loop3A_104, %parallel_loop3A_105 : i32
        %parallel_loop3A_107 = arith.index_cast %parallel_loop3A_106 : i32 to index
        %parallel_loop3A_108 = tpu.vector_load %arg8[%parallel_loop3A_107] {strides = array<i32>} : memref<2000xf32, #tpu.memory_space<vmem>>, vector<16xf32>,
        %parallel_loop3A_109 = arith.index_cast %parallel_loop3A_106 : i32 to index
        %parallel_loop3A_110 = tpu.vector_load %arg9[%parallel_loop3A_109] {strides = array<i32>} : memref<2000xf32, #tpu.memory_space<vmem>>, vector<16xf32>,
        %parallel_loop3A_111 = arith.index_cast %parallel_loop3A_106 : i32 to index
        %parallel_loop3A_112 = tpu.vector_load %arg10[%parallel_loop3A_111] {strides = array<i32>} : memref<2000xf32, #tpu.memory_space<vmem>>, vector<16xf32>,
        %parallel_loop3A_113 = arith.mulf %parallel_loop3A_108, %parallel_loop3A_108 : vector<16xf32>
        %parallel_loop3A_114 = arith.mulf %parallel_loop3A_110, %parallel_loop3A_110 : vector<16xf32>
        %parallel_loop3A_115 = arith.addf %parallel_loop3A_113, %parallel_loop3A_114 : vector<16xf32>
        %parallel_loop3A_116 = arith.mulf %parallel_loop3A_112, %parallel_loop3A_112 : vector<16xf32>
        %parallel_loop3A_117 = arith.addf %parallel_loop3A_115, %parallel_loop3A_116 : vector<16xf32>
        %parallel_loop3A_118 = vector.broadcast %scan3A : f32 to vector<16xf32>
        %parallel_loop3A_119 = arith.mulf %parallel_loop3A_117, %parallel_loop3A_118 : vector<16xf32>
        %parallel_loop3A_120 = vector.bitcast %parallel_loop3A_117 : vector<16xf32> to vector<16xi32>
        %parallel_loop3A_121 = arith.constant 1 : i32
        %parallel_loop3A_122 = vector.broadcast %parallel_loop3A_121 : i32 to vector<16xi32>
        %parallel_loop3A_123 = arith.shrsi %parallel_loop3A_120, %parallel_loop3A_122 : vector<16xi32>
        %parallel_loop3A_124 = vector.broadcast %scan3A_20 : i32 to vector<16xi32>
        %parallel_loop3A_125 = arith.subi %parallel_loop3A_124, %parallel_loop3A_123 : vector<16xi32>
        %parallel_loop3A_126 = vector.bitcast %parallel_loop3A_125 : vector<16xi32> to vector<16xf32>
        %parallel_loop3A_127 = arith.mulf %parallel_loop3A_119, %parallel_loop3A_126 : vector<16xf32>
        %parallel_loop3A_128 = arith.mulf %parallel_loop3A_127, %parallel_loop3A_126 : vector<16xf32>
        %parallel_loop3A_129 = vector.broadcast %scan3A_21 : f32 to vector<16xf32>
        %parallel_loop3A_130 = arith.subf %parallel_loop3A_129, %parallel_loop3A_128 : vector<16xf32>
        %parallel_loop3A_131 = arith.mulf %parallel_loop3A_126, %parallel_loop3A_130 : vector<16xf32>
        %parallel_loop3A_132 = arith.mulf %parallel_loop3A_119, %parallel_loop3A_131 : vector<16xf32>
        %parallel_loop3A_133 = arith.mulf %parallel_loop3A_132, %parallel_loop3A_131 : vector<16xf32>
        %parallel_loop3A_134 = vector.broadcast %scan3A_21 : f32 to vector<16xf32>
        %parallel_loop3A_135 = arith.subf %parallel_loop3A_134, %parallel_loop3A_133 : vector<16xf32>
        %parallel_loop3A_136 = arith.mulf %parallel_loop3A_131, %parallel_loop3A_135 : vector<16xf32>
        %parallel_loop3A_137 = arith.mulf %parallel_loop3A_119, %parallel_loop3A_136 : vector<16xf32>
        %parallel_loop3A_138 = arith.mulf %parallel_loop3A_137, %parallel_loop3A_136 : vector<16xf32>
        %parallel_loop3A_139 = vector.broadcast %scan3A_21 : f32 to vector<16xf32>
        %parallel_loop3A_140 = arith.subf %parallel_loop3A_139, %parallel_loop3A_138 : vector<16xf32>
        %parallel_loop3A_141 = arith.mulf %parallel_loop3A_136, %parallel_loop3A_140 : vector<16xf32>
        %parallel_loop3A_142 = arith.constant 16 : i32
        %parallel_loop3A_143 = arith.muli %parallel_loop3A_104, %parallel_loop3A_142 : i32
        %parallel_loop3A_144 = vector.broadcast %parallel_loop3A_143 : i32 to vector<16xi32>
        %parallel_loop3A_145 = arith.addi %parallel_loop3A_144, %iota3A : vector<16xi32>
        tpu.vector_store_idx %arg12[%parallel_loop3A_145, %mul3A_5], %parallel_loop3A_141 : memref<2000x8xf32, #tpu.memory_space<vmem>>[vector<16xi32>, vector<16xi32>], vector<16xf32>,
        %parallel_loop3A_146 = arith.mulf %parallel_loop3A_141, %parallel_loop3A_141 : vector<16xf32>
        tpu.vector_store_idx %arg12[%parallel_loop3A_145, %add3A_8], %parallel_loop3A_146 : memref<2000x8xf32, #tpu.memory_space<vmem>>[vector<16xi32>, vector<16xi32>], vector<16xf32>,
      } {sc.loop_unroll_factor = 4 : i64, sc.parallel_access}
      %dma_start3A_72 = arith.constant 0 : i32
      %dma_start3A_73 = arith.constant 0 : i32
      %dma_start3A_74 = tpu.memref_slice %arg18[%dma_start3A_72, %dma_start3A_73] : memref<100000x8xf32, #tpu.memory_space<vmem_shared>> -> memref<100000x8xf32, #tpu.memory_space<vmem_shared>>
      tpu.enqueue_indirect_dma source(%arg12 : memref<2000x8xf32, #tpu.memory_space<vmem>>) target(%dma_start3A_74 : memref<100000x8xf32, #tpu.memory_space<vmem_shared>>) offsets(%arg11 : memref<2000xi32, #tpu.memory_space<vmem>>) semaphore(%arg21 : memref<!tpu.dma_semaphore, #tpu.memory_space<semaphore_mem>>) {add = true}
      %dma_wait3A_75 = arith.constant 0 : i32
      %dma_wait3A_76 = tpu.memref_slice %arg2[%dma_wait3A_75] : memref<6400000xf32, #tpu.memory_space<hbm>> -> memref<2000xf32, #tpu.memory_space<hbm>>
      %dma_wait3A_77 = arith.constant 0 : i32
      %dma_wait3A_78 = tpu.memref_slice %arg2[%dma_wait3A_77] : memref<6400000xf32, #tpu.memory_space<hbm>> -> memref<2000xf32, #tpu.memory_space<hbm>>
      tpu.wait_dma2 semaphore(%arg20 : memref<!tpu.dma_semaphore, #tpu.memory_space<semaphore_mem>>) src(%dma_wait3A_78 : memref<2000xf32, #tpu.memory_space<hbm>>) dst(%arg13 : memref<2000xf32, #tpu.memory_space<vmem>>)
      %dma_wait3A_79 = arith.constant 0 : i32
      %dma_wait3A_80 = tpu.memref_slice %arg3[%dma_wait3A_79] : memref<6400000xf32, #tpu.memory_space<hbm>> -> memref<2000xf32, #tpu.memory_space<hbm>>
      %dma_wait3A_81 = arith.constant 0 : i32
      %dma_wait3A_82 = tpu.memref_slice %arg3[%dma_wait3A_81] : memref<6400000xf32, #tpu.memory_space<hbm>> -> memref<2000xf32, #tpu.memory_space<hbm>>
      tpu.wait_dma2 semaphore(%arg20 : memref<!tpu.dma_semaphore, #tpu.memory_space<semaphore_mem>>) src(%dma_wait3A_82 : memref<2000xf32, #tpu.memory_space<hbm>>) dst(%arg14 : memref<2000xf32, #tpu.memory_space<vmem>>)
      %dma_wait3A_83 = arith.constant 0 : i32
      %dma_wait3A_84 = tpu.memref_slice %arg4[%dma_wait3A_83] : memref<6400000xf32, #tpu.memory_space<hbm>> -> memref<2000xf32, #tpu.memory_space<hbm>>
      %dma_wait3A_85 = arith.constant 0 : i32
      %dma_wait3A_86 = tpu.memref_slice %arg4[%dma_wait3A_85] : memref<6400000xf32, #tpu.memory_space<hbm>> -> memref<2000xf32, #tpu.memory_space<hbm>>
      tpu.wait_dma2 semaphore(%arg20 : memref<!tpu.dma_semaphore, #tpu.memory_space<semaphore_mem>>) src(%dma_wait3A_86 : memref<2000xf32, #tpu.memory_space<hbm>>) dst(%arg15 : memref<2000xf32, #tpu.memory_space<vmem>>)
      %dma_wait3A_87 = arith.constant 0 : i32
      %dma_wait3A_88 = tpu.memref_slice %arg5[%dma_wait3A_87] : memref<6400000xi32, #tpu.memory_space<hbm>> -> memref<2000xi32, #tpu.memory_space<hbm>>
      %dma_wait3A_89 = arith.constant 0 : i32
      %dma_wait3A_90 = tpu.memref_slice %arg5[%dma_wait3A_89] : memref<6400000xi32, #tpu.memory_space<hbm>> -> memref<2000xi32, #tpu.memory_space<hbm>>
      tpu.wait_dma2 semaphore(%arg20 : memref<!tpu.dma_semaphore, #tpu.memory_space<semaphore_mem>>) src(%dma_wait3A_90 : memref<2000xi32, #tpu.memory_space<hbm>>) dst(%arg16 : memref<2000xi32, #tpu.memory_space<vmem>>)
      %parallel_loop3A_91 = arith.constant 0 : i32
      %parallel_loop3A_92 = arith.constant 125 : i32
      %parallel_loop3A_93 = arith.constant 1 : i32
      scf.for %parallel_loop3A_104 = %parallel_loop3A_91 to %parallel_loop3A_92 step %parallel_loop3A_93  : i32 {
        %parallel_loop3A_105 = arith.constant 16 : i32
        %parallel_loop3A_106 = arith.muli %parallel_loop3A_104, %parallel_loop3A_105 : i32
        %parallel_loop3A_107 = arith.index_cast %parallel_loop3A_106 : i32 to index
        %parallel_loop3A_108 = tpu.vector_load %arg13[%parallel_loop3A_107] {strides = array<i32>} : memref<2000xf32, #tpu.memory_space<vmem>>, vector<16xf32>,
        %parallel_loop3A_109 = arith.index_cast %parallel_loop3A_106 : i32 to index
        %parallel_loop3A_110 = tpu.vector_load %arg14[%parallel_loop3A_109] {strides = array<i32>} : memref<2000xf32, #tpu.memory_space<vmem>>, vector<16xf32>,
        %parallel_loop3A_111 = arith.index_cast %parallel_loop3A_106 : i32 to index
        %parallel_loop3A_112 = tpu.vector_load %arg15[%parallel_loop3A_111] {strides = array<i32>} : memref<2000xf32, #tpu.memory_space<vmem>>, vector<16xf32>,
        %parallel_loop3A_113 = arith.mulf %parallel_loop3A_108, %parallel_loop3A_108 : vector<16xf32>
        %parallel_loop3A_114 = arith.mulf %parallel_loop3A_110, %parallel_loop3A_110 : vector<16xf32>
        %parallel_loop3A_115 = arith.addf %parallel_loop3A_113, %parallel_loop3A_114 : vector<16xf32>
        %parallel_loop3A_116 = arith.mulf %parallel_loop3A_112, %parallel_loop3A_112 : vector<16xf32>
        %parallel_loop3A_117 = arith.addf %parallel_loop3A_115, %parallel_loop3A_116 : vector<16xf32>
        %parallel_loop3A_118 = vector.broadcast %scan3A : f32 to vector<16xf32>
        %parallel_loop3A_119 = arith.mulf %parallel_loop3A_117, %parallel_loop3A_118 : vector<16xf32>
        %parallel_loop3A_120 = vector.bitcast %parallel_loop3A_117 : vector<16xf32> to vector<16xi32>
        %parallel_loop3A_121 = arith.constant 1 : i32
        %parallel_loop3A_122 = vector.broadcast %parallel_loop3A_121 : i32 to vector<16xi32>
        %parallel_loop3A_123 = arith.shrsi %parallel_loop3A_120, %parallel_loop3A_122 : vector<16xi32>
        %parallel_loop3A_124 = vector.broadcast %scan3A_20 : i32 to vector<16xi32>
        %parallel_loop3A_125 = arith.subi %parallel_loop3A_124, %parallel_loop3A_123 : vector<16xi32>
        %parallel_loop3A_126 = vector.bitcast %parallel_loop3A_125 : vector<16xi32> to vector<16xf32>
        %parallel_loop3A_127 = arith.mulf %parallel_loop3A_119, %parallel_loop3A_126 : vector<16xf32>
        %parallel_loop3A_128 = arith.mulf %parallel_loop3A_127, %parallel_loop3A_126 : vector<16xf32>
        %parallel_loop3A_129 = vector.broadcast %scan3A_21 : f32 to vector<16xf32>
        %parallel_loop3A_130 = arith.subf %parallel_loop3A_129, %parallel_loop3A_128 : vector<16xf32>
        %parallel_loop3A_131 = arith.mulf %parallel_loop3A_126, %parallel_loop3A_130 : vector<16xf32>
        %parallel_loop3A_132 = arith.mulf %parallel_loop3A_119, %parallel_loop3A_131 : vector<16xf32>
        %parallel_loop3A_133 = arith.mulf %parallel_loop3A_132, %parallel_loop3A_131 : vector<16xf32>
        %parallel_loop3A_134 = vector.broadcast %scan3A_21 : f32 to vector<16xf32>
        %parallel_loop3A_135 = arith.subf %parallel_loop3A_134, %parallel_loop3A_133 : vector<16xf32>
        %parallel_loop3A_136 = arith.mulf %parallel_loop3A_131, %parallel_loop3A_135 : vector<16xf32>
        %parallel_loop3A_137 = arith.mulf %parallel_loop3A_119, %parallel_loop3A_136 : vector<16xf32>
        %parallel_loop3A_138 = arith.mulf %parallel_loop3A_137, %parallel_loop3A_136 : vector<16xf32>
        %parallel_loop3A_139 = vector.broadcast %scan3A_21 : f32 to vector<16xf32>
        %parallel_loop3A_140 = arith.subf %parallel_loop3A_139, %parallel_loop3A_138 : vector<16xf32>
        %parallel_loop3A_141 = arith.mulf %parallel_loop3A_136, %parallel_loop3A_140 : vector<16xf32>
        %parallel_loop3A_142 = arith.constant 16 : i32
        %parallel_loop3A_143 = arith.muli %parallel_loop3A_104, %parallel_loop3A_142 : i32
        %parallel_loop3A_144 = vector.broadcast %parallel_loop3A_143 : i32 to vector<16xi32>
        %parallel_loop3A_145 = arith.addi %parallel_loop3A_144, %iota3A : vector<16xi32>
        tpu.vector_store_idx %arg17[%parallel_loop3A_145, %mul3A_5], %parallel_loop3A_141 : memref<2000x8xf32, #tpu.memory_space<vmem>>[vector<16xi32>, vector<16xi32>], vector<16xf32>,
        %parallel_loop3A_146 = arith.mulf %parallel_loop3A_141, %parallel_loop3A_141 : vector<16xf32>
        tpu.vector_store_idx %arg17[%parallel_loop3A_145, %add3A_8], %parallel_loop3A_146 : memref<2000x8xf32, #tpu.memory_space<vmem>>[vector<16xi32>, vector<16xi32>], vector<16xf32>,
      } {sc.loop_unroll_factor = 4 : i64, sc.parallel_access}
      %dma_wait3A_94 = arith.constant 0 : i32
      %dma_wait3A_95 = arith.constant 0 : i32
      %dma_wait3A_96 = tpu.memref_slice %arg18[%dma_wait3A_94, %dma_wait3A_95] : memref<100000x8xf32, #tpu.memory_space<vmem_shared>> -> memref<100000x8xf32, #tpu.memory_space<vmem_shared>>
      tpu.wait_indirect_dma semaphore(%arg21 : memref<!tpu.dma_semaphore, #tpu.memory_space<semaphore_mem>>) src(%arg12 : memref<2000x8xf32, #tpu.memory_space<vmem>>) dst(%dma_wait3A_96 : memref<100000x8xf32, #tpu.memory_space<vmem_shared>>)
      %lt3A = arith.constant 49 : i32
      %lt3A_97 = arith.cmpi slt, %scan3A_32, %lt3A : i32
      %convert_element_type3A_98 = arith.extui %lt3A_97 : i1 to i32
      %cond3A_99 = arith.constant 0 : i32
      %cond3A_100 = arith.cmpi ne, %convert_element_type3A_98, %cond3A_99 : i32
      scf.if %cond3A_100 {
        %mul3A_104 = arith.constant 2 : i32
        %mul3A_105 = arith.muli %mul3A_104, %scan3A_32 : i32
        %add3A_106 = arith.constant 2 : i32
        %add3A_107 = arith.addi %mul3A_105, %add3A_106 : i32
        %mul3A_108 = arith.constant 200000 : i32
        %mul3A_109 = arith.muli %add3A, %mul3A_108 : i32
        %mul3A_110 = arith.constant 2000 : i32
        %mul3A_111 = arith.muli %add3A_107, %mul3A_110 : i32
        %add3A_112 = arith.addi %mul3A_109, %mul3A_111 : i32
        %dma_start3A_113 = tpu.memref_slice %arg2[%add3A_112] : memref<6400000xf32, #tpu.memory_space<hbm>> -> memref<2000xf32, #tpu.memory_space<hbm>>
        %dma_start3A_114 = tpu.memref_slice %arg2[%add3A_112] : memref<6400000xf32, #tpu.memory_space<hbm>> -> memref<2000xf32, #tpu.memory_space<hbm>>
        tpu.enqueue_dma source(%dma_start3A_114 : memref<2000xf32, #tpu.memory_space<hbm>>) target(%arg8 : memref<2000xf32, #tpu.memory_space<vmem>>) target_semaphore(%arg19 : memref<!tpu.dma_semaphore, #tpu.memory_space<semaphore_mem>>)
        %dma_start3A_115 = tpu.memref_slice %arg3[%add3A_112] : memref<6400000xf32, #tpu.memory_space<hbm>> -> memref<2000xf32, #tpu.memory_space<hbm>>
        %dma_start3A_116 = tpu.memref_slice %arg3[%add3A_112] : memref<6400000xf32, #tpu.memory_space<hbm>> -> memref<2000xf32, #tpu.memory_space<hbm>>
        tpu.enqueue_dma source(%dma_start3A_116 : memref<2000xf32, #tpu.memory_space<hbm>>) target(%arg9 : memref<2000xf32, #tpu.memory_space<vmem>>) target_semaphore(%arg19 : memref<!tpu.dma_semaphore, #tpu.memory_space<semaphore_mem>>)
        %dma_start3A_117 = tpu.memref_slice %arg4[%add3A_112] : memref<6400000xf32, #tpu.memory_space<hbm>> -> memref<2000xf32, #tpu.memory_space<hbm>>
        %dma_start3A_118 = tpu.memref_slice %arg4[%add3A_112] : memref<6400000xf32, #tpu.memory_space<hbm>> -> memref<2000xf32, #tpu.memory_space<hbm>>
        tpu.enqueue_dma source(%dma_start3A_118 : memref<2000xf32, #tpu.memory_space<hbm>>) target(%arg10 : memref<2000xf32, #tpu.memory_space<vmem>>) target_semaphore(%arg19 : memref<!tpu.dma_semaphore, #tpu.memory_space<semaphore_mem>>)
        %dma_start3A_119 = tpu.memref_slice %arg5[%add3A_112] : memref<6400000xi32, #tpu.memory_space<hbm>> -> memref<2000xi32, #tpu.memory_space<hbm>>
        %dma_start3A_120 = tpu.memref_slice %arg5[%add3A_112] : memref<6400000xi32, #tpu.memory_space<hbm>> -> memref<2000xi32, #tpu.memory_space<hbm>>
        tpu.enqueue_dma source(%dma_start3A_120 : memref<2000xi32, #tpu.memory_space<hbm>>) target(%arg11 : memref<2000xi32, #tpu.memory_space<vmem>>) target_semaphore(%arg19 : memref<!tpu.dma_semaphore, #tpu.memory_space<semaphore_mem>>)
      } else {
      }
      %dma_start3A_101 = arith.constant 0 : i32
      %dma_start3A_102 = arith.constant 0 : i32
      %dma_start3A_103 = tpu.memref_slice %arg18[%dma_start3A_101, %dma_start3A_102] : memref<100000x8xf32, #tpu.memory_space<vmem_shared>> -> memref<100000x8xf32, #tpu.memory_space<vmem_shared>>
      tpu.enqueue_indirect_dma source(%arg17 : memref<2000x8xf32, #tpu.memory_space<vmem>>) target(%dma_start3A_103 : memref<100000x8xf32, #tpu.memory_space<vmem_shared>>) offsets(%arg16 : memref<2000xi32, #tpu.memory_space<vmem>>) semaphore(%arg22 : memref<!tpu.dma_semaphore, #tpu.memory_space<semaphore_mem>>) {add = true}
    }
    %scan3A_26 = arith.constant 50 : i32
    %dma_wait3A = arith.constant 0 : i32
    %dma_wait3A_27 = arith.constant 0 : i32
    %dma_wait3A_28 = tpu.memref_slice %arg18[%dma_wait3A, %dma_wait3A_27] : memref<100000x8xf32, #tpu.memory_space<vmem_shared>> -> memref<100000x8xf32, #tpu.memory_space<vmem_shared>>
    tpu.wait_indirect_dma semaphore(%arg22 : memref<!tpu.dma_semaphore, #tpu.memory_space<semaphore_mem>>) src(%arg17 : memref<2000x8xf32, #tpu.memory_space<vmem>>) dst(%dma_wait3A_28 : memref<100000x8xf32, #tpu.memory_space<vmem_shared>>)
    %barrier3A_29 = arith.constant 0 : index
    tpu.barrier barrier_id(%barrier3A_29)
    %eq3A = arith.constant 0 : i32
    %eq3A_30 = arith.cmpi eq, %arg1, %eq3A : i32
    %convert_element_type3A = arith.extui %eq3A_30 : i1 to i32
    %cond3A = arith.constant 0 : i32
    %cond3A_31 = arith.cmpi ne, %convert_element_type3A, %cond3A : i32
    scf.if %cond3A_31 {
      "tpu.region"() ({
        %run_scoped3A = tpu.sem_alloc : memref<!tpu.dma_semaphore, #tpu.memory_space<semaphore_mem>>
        %dma_start3A_32 = arith.constant 0 : i32
        %dma_start3A_33 = arith.constant 0 : i32
        %dma_start3A_34 = tpu.memref_slice %arg7[%arg0, %dma_start3A_32, %dma_start3A_33] : memref<2x100000x8xf32, #tpu.memory_space<hbm>> -> memref<1x100000x8xf32, #tpu.memory_space<hbm>>
        %dma_start3A_35 = tpu.memref_squeeze %dma_start3A_34 : memref<1x100000x8xf32, #tpu.memory_space<hbm>> -> memref<100000x8xf32, #tpu.memory_space<hbm>>
        tpu.enqueue_dma source(%arg18 : memref<100000x8xf32, #tpu.memory_space<vmem_shared>>) target(%dma_start3A_35 : memref<100000x8xf32, #tpu.memory_space<hbm>>) target_semaphore(%run_scoped3A : memref<!tpu.dma_semaphore, #tpu.memory_space<semaphore_mem>>)
        %dma_wait3A_36 = arith.constant 0 : i32
        %dma_wait3A_37 = arith.constant 0 : i32
        %dma_wait3A_38 = tpu.memref_slice %arg7[%arg0, %dma_wait3A_36, %dma_wait3A_37] : memref<2x100000x8xf32, #tpu.memory_space<hbm>> -> memref<1x100000x8xf32, #tpu.memory_space<hbm>>
        %dma_wait3A_39 = tpu.memref_squeeze %dma_wait3A_38 : memref<1x100000x8xf32, #tpu.memory_space<hbm>> -> memref<100000x8xf32, #tpu.memory_space<hbm>>
        tpu.wait_dma2 semaphore(%run_scoped3A : memref<!tpu.dma_semaphore, #tpu.memory_space<semaphore_mem>>) src(%arg18 : memref<100000x8xf32, #tpu.memory_space<vmem_shared>>) dst(%dma_wait3A_39 : memref<100000x8xf32, #tpu.memory_space<hbm>>)
        tpu.yield
      }) : () -> ()
    } else {
    }
    return
  }
}

</mosaic_0001>

<sc_bundles>
// kernel: kernel.3.cloned.1.call-start
scs
__scs_entry_jumppad:
0x0: {  	(pc) =	sbr.rel $0x88, $3  }
0x1: {  	(tag) =	ssettag $0x0;
	lr =	simm.s32 $0x1  }
0x2: {  	[smem:$0x3F9F] =	sst lr;
	_ =	strace $0xD0000000  }
0x3: {  	_ = 	snop  }
0x4: {  	_ = 	snop  }
0x5: {  	_ = 	snop  }
0x6: {  	_ = 	snop  }
0x7: {  	_ = 	snop  }
__scs_overlays_trampoline_lowered:
0x8: {  	[smem:$0x3FAE] =	sst s0  }
0x9: {  	[smem:$0x3FAF] =	sst s1  }
0xa: {  	[smem:$0x3FB0] =	sst s2  }
0xb: {  	[smem:$0x3FB1] =	sst s3  }
0xc: {  	[smem:$0x3FB2] =	sst s4  }
0xd: {  	[smem:$0x3FB3] =	sst s5  }
0xe: {  	[smem:$0x3FB4] =	sst s6  }
0xf: {  	[smem:$0x3FB5] =	sst s7  }
0x10: {  	[smem:$0x3FB6] =	sst s8  }
0x11: {  	[smem:$0x3FB7] =	sst s9;
	s0 =	simm.s32 @!p0 $0x0  }
0x12: {  	s1 =	sld [smem:$0x3F9D];
	s0 =	simm.s32 @p0 $0x1  }
0x13: {  	[smem:$0x3FB8] =	sst s0;
	s0 =	simm.s32 @!p1 $0x0  }
0x14: {  	s2 =	sld [smem:$0x3F9C];
	s0 =	simm.s32 @p1 $0x1  }
0x15: {  	[smem:$0x3FB9] =	sst s0;
	s0 =	simm.s32 @!p2 $0x0  }
0x16: {  	s3 =	sld [smem:$0x3FDB];
	s0 =	simm.s32 @p2 $0x1  }
0x17: {  	s4 =	simm.s32 $0x1BF5;
	[smem:$0x3FBB] =	sst s0  }
0x18: {  	s0 =	sld [smem:$0x3F9E];
	_ =	swait.ge [sflag:s4], $0x0  }
0x19: {  	s7 =	sld [smem:$0x3F9F]  }
0x1a: {  	s8 =	sadd.s32 $0xFFFFE003, lr  }
0x1b: {  	s9 =	sadd.s32 $0xFFFFFEF7, lr;
	s5 =	simm.s32 $0xFFFFFFFF;
	p2 =	slt.u32 s8, $0xFFFFF086  }
0x1c: {  	p1 =	slt.u32 s9, $0xF7A;
	s5 =	simm.s32 @!p2 $0x0  }
0x1d: {  	s5 =	simm.s32 @p1 $0x1;
	p0 =	seq.s32 s7, s2  }
0x1e: {  	s7 =	smul.u32 @!p0 $0xF7A, s2;
	p2 =	seq.s32 @!p0 s5, $0x0  }
0x1f: {  	s9 =	smul.u32 $0xF7A, s1;
	s8 =	simm.s32 @!p0 $0x1BF5;
	p2 =	por !p2, p0  }
0x20: {  	[sflag:s8] =	ssyncset.s32 @!p0 $0xFFFFF086;
	s6 =	sadd.s32 @!p0 s3, s7;
	s7 =	simm.s32 @!p0 $0x108  }
0x21: {  	s3 =	sadd.s32 s3, s9;
	s6 =	sadd.s32 @!p0 $0x88, s6;
	s7 =	simm.s32 @p2 $0x1082  }
0x22: {  	[simem:s7], [sflag:s8] =	dma.local @!p0 [hbm:s6], $0xF7A  }
0x23: {  	s9 =	sor.u32 $0xD0000000, s2;
	s6 =	simm.s32 $0x108;
	_ =	swait.ge @!p0 [sflag:s8], $0x0  }
0x24: {  	s3 =	sadd.s32 $0x88, s3;
	s6 =	simm.s32 @!p1 $0x1082;
	[sflag:s4] =	ssyncset.s32 $0xFFFFF086  }
0x25: {  	[simem:s6], [sflag:s4] =	dma.local [hbm:s3], $0xF7A  }
0x26: {  	[smem:$0x3F9F] =	sst s1;
	(tag) =	ssettag s2;
	_ =	strace s9  }
0x27: {  	s1 =	sld [smem:$0x3FAF]  }
0x28: {  	s2 =	sld [smem:$0x3FB0]  }
0x29: {  	s4 =	sld [smem:$0x3FB2]  }
0x2a: {  	p0 =	seq.s32 s5, $0x0;
	s5 =	sld [smem:$0x3FB3]  }
0x2b: {  	s6 =	sld [smem:$0x3FB4]  }
0x2c: {  	s7 =	sld [smem:$0x3FB5]  }
0x2d: {  	s3 =	simm.s32 $0x108;
	s8 =	sld [smem:$0x3FB6]  }
0x2e: {  	s3 =	simm.s32 @!p0 $0x1082;
	s9 =	sld [smem:$0x3FB7]  }
0x2f: {  	lr =	sadd.s32 s0, s3;
	s0 =	sld [smem:$0x3FAE]  }
0x30: {  	s3 =	sld [smem:$0x3FB1]  }
0x31: {  	[smem:$0x3FBA] =	sst s10  }
0x32: {  	s10 =	sld [smem:$0x3FB8];
	_ =	sdelay $0x3  }
0x33: {  	p0 =	seq.s32 s10, $0x1;
	s10 =	sld [smem:$0x3FBA];
	_ =	sdelay $0x3  }
0x34: {  	[smem:$0x3FBA] =	sst s10  }
0x35: {  	s10 =	sld [smem:$0x3FB9];
	_ =	sdelay $0x3  }
0x36: {  	p1 =	seq.s32 s10, $0x1;
	s10 =	sld [smem:$0x3FBA];
	_ =	sdelay $0x3  }
0x37: {  	[smem:$0x3FBA] =	sst s10  }
0x38: {  	s10 =	sld [smem:$0x3FBB]  }
0x39: {  	_ = 	snop;
	(pc) =	sbr.ind lr, $3  }
0x3a: {  	_ = 	snop  }
0x3b: {  	_ = 	snop  }
0x3c: {  	p2 =	seq.s32 s10, $0x1;
	s10 =	sld [smem:$0x3FBA]  }
0x3d: {  	_ =	shalt  }
0x3e: {  	_ =	shalt  }
0x3f: {  	_ =	shalt  }
0x40: {  	_ =	shalt  }
0x41: {  	_ =	shalt  }
0x42: {  	_ =	shalt  }
0x43: {  	_ =	shalt  }
0x44: {  	_ =	shalt  }
0x45: {  	_ =	shalt  }
0x46: {  	_ =	shalt  }
0x47: {  	_ =	shalt  }
0x48: {  	_ =	shalt  }
0x49: {  	_ =	shalt  }
0x4a: {  	_ =	shalt  }
0x4b: {  	_ =	shalt  }
0x4c: {  	_ =	shalt  }
0x4d: {  	_ =	shalt  }
0x4e: {  	_ =	shalt  }
0x4f: {  	_ =	shalt  }
0x50: {  	_ =	shalt  }
0x51: {  	_ =	shalt  }
0x52: {  	_ =	shalt  }
0x53: {  	_ =	shalt  }
0x54: {  	_ =	shalt  }
0x55: {  	_ =	shalt  }
0x56: {  	_ =	shalt  }
0x57: {  	_ =	shalt  }
0x58: {  	_ =	shalt  }
0x59: {  	_ =	shalt  }
0x5a: {  	_ =	shalt  }
0x5b: {  	_ =	shalt  }
0x5c: {  	_ =	shalt  }
0x5d: {  	_ =	shalt  }
0x5e: {  	_ =	shalt  }
0x5f: {  	_ =	shalt  }
0x60: {  	_ =	shalt  }
0x61: {  	_ =	shalt  }
0x62: {  	_ =	shalt  }
0x63: {  	_ =	shalt  }
0x64: {  	_ =	shalt  }
0x65: {  	_ =	shalt  }
0x66: {  	_ =	shalt  }
0x67: {  	_ =	shalt  }
0x68: {  	_ =	shalt  }
0x69: {  	_ =	shalt  }
0x6a: {  	_ =	shalt  }
0x6b: {  	_ =	shalt  }
0x6c: {  	_ =	shalt  }
0x6d: {  	_ =	shalt  }
0x6e: {  	_ =	shalt  }
0x6f: {  	_ =	shalt  }
0x70: {  	_ =	shalt  }
0x71: {  	_ =	shalt  }
0x72: {  	_ =	shalt  }
0x73: {  	_ =	shalt  }
0x74: {  	_ =	shalt  }
0x75: {  	_ =	shalt  }
0x76: {  	_ =	shalt  }
0x77: {  	_ =	shalt  }
0x78: {  	_ =	shalt  }
0x79: {  	_ =	shalt  }
0x7a: {  	_ =	shalt  }
0x7b: {  	_ =	shalt  }
0x7c: {  	_ =	shalt  }
0x7d: {  	_ =	shalt  }
0x7e: {  	_ =	shalt  }
0x7f: {  	_ =	shalt  }
0x80: {  	_ =	shalt  }
0x81: {  	_ =	shalt  }
0x82: {  	_ =	shalt  }
0x83: {  	_ =	shalt  }
0x84: {  	_ =	shalt  }
0x85: {  	_ =	shalt  }
0x86: {  	_ =	shalt  }
0x87: {  	_ =	shalt  }
.Lfunc_end0:
.L_simem_size_0:
called_computation_lowered:
.L_overlay_start_0:
0x88: {  	s2 =	sld [smem:$0x3FD9]  }
0x89: {  	s3 =	sld [smem:$0x3FFE];
	_ =	sdelay $0x1  }
0x8a: {  	s1 =	srdreg.scid  }
0x8b: {  	s0 =	sand.u32 $0x1, s1  }
0x8c: {  	s17 =	sshll.u32 s0, $0xA;
	s2 =	sadd.s32 s3, s2  }
0x8d: {  	s2 =	sadd.s32 s2, s17  }
0x8e: {  	[smem:$0x3FC6] =	sst s2  }
0x8f: {  	_ = 	snop  }
0x90: {  	s2 =	sld [smem:$0x3FC8]  }
0x91: {  	s18 =	sld [smem:$0x3FD0];
	(tm) =	ssettm $0x1  }
0x92: {  	s4 =	sld [smem:$0x3FFB];
	_ =	sdelay $0x3  }
0x93: {  	_ =	strace s4  }
0x94: {  	s4 =	sld [smem:$0x3FFC];
	_ =	sdelay $0x3  }
0x95: {  	_ =	strace s4  }
0x96: {  	s4 =	sld [smem:$0x3FFD];
	_ =	sdelay $0x3  }
0x97: {  	_ =	strace s4  }
0x98: {  	_ =	strace $0x8FFFFFFF  }
0x99: {  	s19 =	sld [smem:$0x3FDB];
	_ =	sdelay $0x1  }
0x9a: {  	s5 =	simm.s32 $_scs_section_size  }
0x9b: {  	s6 =	simm.s32 $_size__tile_overlayer_lowered;
	s7 =	simm.s32 $_tile_overlayer_lowered  }
0x9c: {  	s22 =	simm.s32 $0x1BFF;
	s21 =	sshll.u32 s7, $0x1;
	s4 =	sadd.s32 s5, s19  }
0x9d: {  	s8 =	simm.s32 $0x0;
	s20 =	sshll.u32 s6, $0x1;
	s6 =	sadd.s32 s21, s4  }
0x9e: {  	[timem:s8], [sflag:s22] =	dma.local [hbm:s6], s20  }
0x9f: {  	_ =	swait.ge [sflag:s22], s20  }
0xa0: {  	s5 =	ssub.s32 $0x0, s20;
	[sflag:s22] =	ssyncset.done $0x0  }
0xa1: {  	[sflag:s22] =	ssyncadd.s32 s5;
	_ =	sdelay $0x1  }
0xa2: {  	s23 =	simm.s32 $0x1B8B  }
0xa3: {  	_ =	swait.ge [sflag:s23], $0x1  }
0xa4: {  	[sflag:s23] =	ssyncset.done $0x0  }
0xa5: {  	s25 =	simm.s32 $0x1B8E;
	s24 =	sld [smem:$0x3FFE];
	[sflag:s23] =	ssyncadd.s32 $0xFFFFFFFF  }
0xa6: {  	s26 =	simm.s32 $execute0_lowered;
	[smem:$0x3FD2] =	sst s25  }
0xa7: {  	s6 =	sshll.u32 s26, $0x1;
	_ =	strace $0x80000046;
	[dreg:$0x1] =	wrdreg $0xFFFFFFFF  }
0xa8: {  	s28 =	simm.s32 $_size_execute0_lowered;
	s4 =	sadd.s32 s4, s6;
	[dreg:$0x0] =	wrdreg $0x0  }
0xa9: {  	s6 =	sshll.u32 s28, $0x1;
	[dreg:$0x2] =	wrdreg s4  }
0xaa: {  	[dreg:$0x3] =	wrdreg s6  }
0xab: {  	[dreg:$0x4] =	wrdreg $0xC0  }
0xac: {  	_ =	task [dreg:s8], $0x5FFFF  }
0xad: {  	[dreg:$0x1] =	wrdreg $0xFFFFFFFF  }
0xae: {  	[dreg:$0x0] =	wrdreg $0x60  }
0xaf: {  	[dreg:$0x2] =	wrdreg s24  }
0xb0: {  	[dreg:$0x3] =	wrdreg s2  }
0xb1: {  	[dreg:$0x4] =	wrdreg s18  }
0xb2: {  	[dreg:$0x5] =	wrdreg $0xBB800  }
0xb3: {  	[dreg:$0x6] =	wrdreg $0x9  }
0xb4: {  	_ =	task.clear_ibuf [dreg:s8], $0x7FFFF;
	_ =	strace $0x90000046  }
0xb5: {  	s29 =	simm.s32 $0x9;
	_ =	strace $0x80000048  }
0xb6: {  	_ =	swait.ge [sflag:s29], $0x1  }
0xb7: {  	[sflag:s29] =	ssyncadd.s32 $0xFFFFFFFF  }
0xb8: {  	_ =	strace $0x90000048  }
0xb9: {  	_ =	sfence  }
0xba: {  	s30 =	sld [smem:$0x0];
	_ =	sdelay $0x2  }
0xbb: {  	s31 =	sshll.u32 s1, $0xD;
	s1 =	sshrl.u32 s1, $0x2  }
0xbc: {  	s3 =	sand.u32 $0x4000, s31;
	s1 =	sadd.s32 s1, s30  }
0xbd: {  	s0 =	sor.u32 s3, s0;
	s1 =	sshll.u32 s1, $0x11  }
0xbe: {  	s0 =	sor.u32 s1, s0  }
0xbf: {  	s0 =	sadd.s32 $0x8F2B, s0  }
0xc0: {  	[sflag:s0] =	ssyncadd.remote.s32 $0x1  }
0xc1: {  	_ =	sfence.sel $0xFFFF  }
0xc2: {  	[dreg:$0x0] =	wrdreg $0xFFFFFFFF;
	(pc) =	sbr.abs _section_cstart, $3  }
0xc3: {  	[dreg:$0x1] =	wrdreg $0xFFFFFFFF  }
0xc4: {  	_ =	task.clear_ibuf [dreg:s8], $0x2FFFF;
	_ =	strace $0x9FFFFFFF  }
0xc5: {  	(tm) =	ssettm $0x7FFFFFFF  }
tec
execute0_lowered:
.L_overlay_start_1:
0x0: {  	(tag) =	ssettag $0x1  }
0x1: {  	s0 =	rddreg [dreg:$0x0]  }
0x2: {  	s1 =	rddreg [dreg:$0x1]  }
0x3: {  	s3 =	rddreg [dreg:$0x3];
	s4 =	simm.s32 $0x0  }
0x4: {  	s2 =	srdreg.scid;
	s9 =	stileid.u32;
	s19 =	simm.s32 $0x1F40  }
0x5: {  	s28 =	simm.s32 $0x7530;
	s29 =	simm.s32 $0x1;
	s30 =	simm.s32 $0x2  }
0x6: {  	s31 =	simm.s32 $0x3;
	[smem:$0x7FF] =	sst s4;
	s5 =	sadd.s32 $0x187200, s0  }
0x7: {  	s2 =	sand.u32 $0x1, s2;
	s10 =	smul.u32 $0x30D40, s9;
	s21 =	sshll.u32 s9, $0x6  }
0x8: {  	p0 =	sne.s32 s9, $0x0;
	_ =	strace $0x80000047;
	s6 =	sshll.u32 s2, $0x4  }
0x9: {  	s8 =	smul.u32 $0x186A0, s2;
	s2 =	ssub.s32 $0x2, s2;
	s7 =	sor.u32 s9, s6  }
0xa: {  	s6 =	sadd.s32 $0xC3C00, s0;
	s11 =	sshrl.u32 s2, $0x1;
	s20 =	sshrl.u32 s10, $0x2  }
0xb: {  	s10 =	sor.u32 $0x1C05, s21;
	s21 =	simm.s32 $0x7D0;
	s9 =	simm.s32 $0x0  }
0xc: {  	s12 =	smul.u32 $0x30D40, s7;
	s7 =	sadd.s32 $0x600, s0;
	s0 =	sadd.s32 s8, s0  }
0xd: {  	s2 =	ssub.s32 s2, s11;
	[dreg:$0x5] =	wrdreg s10;
	s0 =	sadd.s32 $0x24A800, s0  }
0xe: {  	s8 =	sadd.s32 s20, s3;
	s25 =	smax.u32 s2, $0x1;
	[dreg:$0xa] =	wrdreg s0  }
0xf: {  	s26 =	sshrl.u32 s8, $0x3;
	s22 =	sshrl.u32 s12, $0x3;
	[dreg:$0xb] =	wrdreg s25  }
0x10: {  	s20 =	simm.s32 $0x7D00;
	[dreg:$0xc] =	wrdreg s26;
	s13 =	sadd.s32 s5, s22  }
.Ltmp0:
0x11: {  	s23 =	sadd.s32 s6, s22;
	[dreg:$0x6] =	wrdreg s13;
	(pc) =	sbr.rel .LBB2_1-.Ltmp0, $4  }
0x12: {  	v0 =	vlaneseq.u32;
	s14 =	sadd.s32 $0xFA0, s12;
	s24 =	sadd.s32 s7, s22;
	[dreg:$0x7] =	wrdreg s23  }
0x13: {  	v0 =	vmul.u32 $0x8, v0;
	s25 =	simm.s32 $0x6590;
	s11 =	sadd.s32 s1, s22;
	[dreg:$0x8] =	wrdreg s24  }
0x14: {  	s26 =	simm.s32 $0x6D60;
	s22 =	simm.s32 $0xFA0;
	[dreg:$0x9] =	wrdreg s11  }
0x15: {  	v1 =	vor.u32 $0x3E00, v0;
	v2 =	vor.u32 $0x3E01, v0;
	s13 =	sadd.s32 $0x7D0, s12;
	s23 =	simm.s32 $0x1770;
	s24 =	simm.s32 $0x5DC0  }
.LBB2_8:
0x16: {  	[spmem:s3] =	stream.indirect.scatter.add.f32 [tilespmem:s20], [sflag:$0x4], $0x8, s28, s21, $0xb8;
	[tilespmem:$0x17ED0] =	vst v63  }
0x17: {  	s0 =	simm.s32 $0x4  }
0x18: {  	_ =	swait.ge [sflag:s0], $0x3E80  }
0x19: {  	[sflag:s0] =	ssyncset.done $0x0  }
0x1a: {  	[sflag:s0] =	ssyncadd.s32 $0xFFFFC180  }
0x1b: {  	[bflag:$0x0] =	sbarrier.arrive $0xFFFF  }
0x1c: {  	s10 =	rddreg [dreg:$0x5]  }
0x1d: {  	s0 =	sshrl.u32 @!p0 s3, $0x3;
	s2 =	rddreg [dreg:$0xa]  }
0x1e: {  	[hbm:s2], [sflag:s10] =	dma.local @!p0 [spmem:s0], $0x186A0  }
0x1f: {  	s0 =	simm.s32 @!p0 $0x5  }
0x20: {  	_ =	swait.ge @!p0 [sflag:s0], $0x186A0  }
0x21: {  	s9 =	sadd.s32 $0x1, s9;
	s18 =	rddreg [dreg:$0xb]  }
0x22: {  	p1 =	sne.s32 s9, s18  }
.Ltmp1:
0x23: {  	_ = 	snop;
	(pc) =	sbr.rel @!p1 .LBB2_9-.Ltmp1, $3  }
0x24: {  	_ =	sdelay $0x1  }
0x25: {  	[sflag:s0] =	ssyncset.done @!p0 $0x0  }
0x26: {  	[sflag:s0] =	ssyncadd.s32 @!p0 $0xFFFE7960  }
.LBB2_1:
0x27: {  	s0 =	rddreg [dreg:$0x2]  }
0x28: {  	s2 =	rddreg [dreg:$0xc];
	s12 =	simm.s32 $0x5  }
0x29: {  	[spmem:s2], [sflag:s10] =	dma.local [hbm:s0], $0x186A  }
0x2a: {  	_ =	swait.ge [sflag:s12], $0x186A  }
0x2b: {  	[sflag:s12] =	ssyncset.done $0x0  }
0x2c: {  	[sflag:s12] =	ssyncadd.s32 $0xFFFFE796  }
0x2d: {  	[tilespmem:s19], [sflag:$0x5] =	stream.linear.gather [hbm4b:s0+s4], $0x3E80, $0x38;
	[tilespmem:$0x17ED0] =	vst v63  }
0x2e: {  	_ =	swait.ge [sflag:s12], $0x3E80  }
0x2f: {  	[sflag:s12] =	ssyncset.done $0x0  }
0x30: {  	[sflag:s12] =	ssyncadd.s32 $0xFFFFC180  }
0x31: {  	[tilespmem:s20], [sflag:$0x5] =	stream.linear.gather [hbm4b:s0+s4], $0x3E80, $0x38;
	[tilespmem:$0x17ED0] =	vst v63  }
0x32: {  	_ =	swait.ge [sflag:s12], $0x3E80  }
0x33: {  	[sflag:s12] =	ssyncset.done $0x0  }
0x34: {  	[sflag:s12] =	ssyncadd.s32 $0xFFFFC180  }
0x35: {  	[bflag:$0x0] =	sbarrier.arrive $0xFFFF  }
0x36: {  	s15 =	rddreg [dreg:$0x6]  }
0x37: {  	[tilespmem:s4], [sflag:$0x1] =	stream.linear.gather [hbm4b:s15+s4], $0x7D0, $0x38;
	[tilespmem:$0x17ED0] =	vst v63  }
0x38: {  	s16 =	rddreg [dreg:$0x7]  }
0x39: {  	[tilespmem:s21], [sflag:$0x1] =	stream.linear.gather [hbm4b:s16+s4], $0x7D0, $0x38;
	[tilespmem:$0x17ED0] =	vst v63  }
0x3a: {  	s17 =	rddreg [dreg:$0x8]  }
0x3b: {  	[tilespmem:s22], [sflag:$0x1] =	stream.linear.gather [hbm4b:s17+s4], $0x7D0, $0x38;
	[tilespmem:$0x17ED0] =	vst v63  }
0x3c: {  	s10 =	simm.s32 $0x0;
	s18 =	rddreg [dreg:$0x9]  }
0x3d: {  	[tilespmem:s23], [sflag:$0x1] =	stream.linear.gather [hbm4b:s18+s4], $0x7D0, $0x38;
	[tilespmem:$0x17ED0] =	vst v63  }
.LBB2_2:
0x3e: {  	p1 =	seq.s32 s10, $0x0;
	s11 =	smul.u32 $0xFA0, s10  }
0x3f: {  	s0 =	simm.s32 @!p1 $0x4  }
0x40: {  	_ =	swait.ge @!p1 [sflag:s0], $0x3E80;
	s2 =	sadd.s32 s11, s13  }
0x41: {  	[sflag:s0] =	ssyncset.done @!p1 $0x0;
	s2 =	sshrl.u32 s2, $0x3  }
0x42: {  	s12 =	simm.s32 $0x0;
	[sflag:s0] =	ssyncadd.s32 @!p1 $0xFFFFC180;
	s18 =	sadd.s32 s5, s2  }
0x43: {  	[tilespmem:s24], [sflag:$0x2] =	stream.linear.gather [hbm4b:s18+s12], $0x7D0, $0x38;
	[tilespmem:$0x17ED0] =	vst v63  }
0x44: {  	s8 =	sadd.s32 s6, s2  }
0x45: {  	[tilespmem:s25], [sflag:$0x2] =	stream.linear.gather [hbm4b:s8+s12], $0x7D0, $0x38;
	[tilespmem:$0x17ED0] =	vst v63  }
0x46: {  	s15 =	sadd.s32 s7, s2  }
0x47: {  	[tilespmem:s26], [sflag:$0x2] =	stream.linear.gather [hbm4b:s15+s12], $0x7D0, $0x38;
	[tilespmem:$0x17ED0] =	vst v63  }
0x48: {  	s16 =	sadd.s32 s1, s2  }
0x49: {  	[tilespmem:s28], [sflag:$0x2] =	stream.linear.gather [hbm4b:s16+s12], $0x7D0, $0x38;
	[tilespmem:$0x17ED0] =	vst v63  }
0x4a: {  	_ =	swait.ge [sflag:s29], $0x7D0  }
0x4b: {  	[sflag:s29] =	ssyncset.done $0x0  }
0x4c: {  	[sflag:s29] =	ssyncadd.s32 $0xFFFFF830  }
0x4d: {  	_ =	swait.ge [sflag:s29], $0x7D0  }
0x4e: {  	[sflag:s29] =	ssyncset.done $0x0  }
0x4f: {  	[sflag:s29] =	ssyncadd.s32 $0xFFFFF830  }
0x50: {  	_ =	swait.ge [sflag:s29], $0x7D0  }
0x51: {  	[sflag:s29] =	ssyncset.done $0x0  }
0x52: {  	[sflag:s29] =	ssyncadd.s32 $0xFFFFF830  }
0x53: {  	_ =	swait.ge [sflag:s29], $0x7D0  }
0x54: {  	[sflag:s29] =	ssyncset.done $0x0  }
0x55: {  	s17 =	simm.s32 $0x20;
	[sflag:s29] =	ssyncadd.s32 $0xFFFFF830  }
0x56: {  	s15 =	simm.s32 $0x7F0;
	v3 =	vld [tilespmem:s17+$0x10]  }
0x57: {  	v4 =	vld [tilespmem:s15+$0x10]  }
0x58: {  	s16 =	simm.s32 $0xFC0;
	v5 =	vld [tilespmem:s15+$0xFFFFFFE0]  }
0x59: {  	v6 =	vld [tilespmem:s16+$0x10]  }
0x5a: {  	v7 =	vld [tilespmem:s17+$0xFFFFFFF0]  }
0x5b: {  	v8 =	vld [tilespmem:s15+$0xFFFFFFF0]  }
0x5c: {  	v9 =	vld [tilespmem:s17+$0x0];
	v3 =	vmul.f32 v3, v3;
	v4 =	vmul.f32 v4, v4  }
0x5d: {  	v10 =	vld [tilespmem:s15+$0x0]  }
0x5e: {  	v11 =	vld [tilespmem:s17+$0xFFFFFFE0];
	v3 =	vadd.f32 v4, v3;
	v4 =	vmul.f32 v6, v6  }
0x5f: {  	v12 =	vld [tilespmem:s16+$0xFFFFFFF0]  }
0x60: {  	v6 =	vld [tilespmem:s16+$0xFFFFFFE0];
	v3 =	vadd.f32 v4, v3  }
0x61: {  	v4 =	vmul.f32 v5, v5;
	v5 =	vmul.f32 v7, v7;
	v7 =	vld [tilespmem:s16+$0x0]  }
0x62: {  	v8 =	vmul.f32 v8, v8;
	v13 =	vmul.f32 $5.000000000e-01, v3;
	v3 =	vshra.s32 v3, $0x1  }
0x63: {  	v9 =	vmul.f32 v9, v9;
	v11 =	vmul.f32 v11, v11;
	v14 =	vsub.s32 $0x5F3759DF, v3  }
0x64: {  	v5 =	vadd.f32 v8, v5;
	v3 =	vmul.f32 v10, v10;
	v8 =	vmul.f32 v14, v13  }
0x65: {  	v4 =	vadd.f32 v4, v11;
	v6 =	vmul.f32 v6, v6;
	v10 =	vmul.f32 v12, v12  }
0x66: {  	v3 =	vadd.f32 v3, v9;
	v7 =	vmul.f32 v7, v7;
	v8 =	vmul.f32 v14, v8  }
0x67: {  	v4 =	vadd.f32 v6, v4;
	v5 =	vadd.f32 v10, v5  }
0x68: {  	v6 =	vadd.f32 v7, v3;
	v7 =	vsub.f32 $1.500000000e+00, v8  }
0x69: {  	v3 =	vmul.f32 $5.000000000e-01, v4;
	v9 =	vshra.s32 v5, $0x1;
	v8 =	vshra.s32 v4, $0x1  }
0x6a: {  	v4 =	vmul.f32 $5.000000000e-01, v5;
	v9 =	vsub.s32 $0x5F3759DF, v9;
	v7 =	vmul.f32 v14, v7  }
0x6b: {  	v5 =	vmul.f32 $5.000000000e-01, v6;
	v8 =	vsub.s32 $0x5F3759DF, v8;
	v6 =	vshra.s32 v6, $0x1  }
0x6c: {  	v10 =	vmul.f32 v8, v3;
	v6 =	vsub.s32 $0x5F3759DF, v6;
	v11 =	vmul.f32 v7, v13  }
0x6d: {  	v12 =	vmul.f32 v9, v4;
	v14 =	vmul.f32 v6, v5  }
0x6e: {  	v10 =	vmul.f32 v8, v10;
	v11 =	vmul.f32 v11, v7  }
0x6f: {  	v12 =	vmul.f32 v9, v12;
	v14 =	vmul.f32 v6, v14  }
0x70: {  	v10 =	vsub.f32 $1.500000000e+00, v10;
	v11 =	vsub.f32 $1.500000000e+00, v11  }
0x71: {  	v12 =	vsub.f32 $1.500000000e+00, v12;
	v14 =	vsub.f32 $1.500000000e+00, v14  }
0x72: {  	v8 =	vmul.f32 v8, v10;
	v7 =	vmul.f32 v11, v7  }
0x73: {  	v10 =	vmul.f32 v9, v12;
	v9 =	vmul.f32 v6, v14  }
0x74: {  	s18 =	simm.s32 $0x30;
	v11 =	vmul.f32 v8, v3;
	v13 =	vmul.f32 v7, v13  }
0x75: {  	v16 =	vmov s18;
	v14 =	vmul.f32 v10, v4;
	v15 =	vmul.f32 v9, v5  }
0x76: {  	s0 =	simm.s32 $0x20;
	v6 =	vmov s12;
	v12 =	vmul.f32 v11, v8;
	v11 =	vmul.f32 v13, v7  }
0x77: {  	s2 =	simm.s32 $0x60;
	s8 =	simm.s32 $0x10;
	s17 =	simm.s32 $0x0;
	v14 =	vmul.f32 v14, v10;
	v13 =	vmul.f32 v15, v9;
	v15 =	vshll.u32 v16, $0x3  }
.LBB2_3:
0x78: {  	v16 =	vld [tilespmem:s2+$0x10];
	v12 =	vsub.f32 $1.500000000e+00, v12;
	v11 =	vsub.f32 $1.500000000e+00, v11;
	v15 =	vor.u32 v0, v15;
	s15 =	sadd.s32 $0x40, s15  }
0x79: {  	s17 =	sadd.s32 $0x4, s17;
	v17 =	vld [tilespmem:s15+$0x10];
	v14 =	vsub.f32 $1.500000000e+00, v14;
	v13 =	vsub.f32 $1.500000000e+00, v13;
	v18 =	vor.u32 $0x1, v15  }
0x7a: {  	s16 =	sadd.s32 $0x40, s16;
	p1 =	slt.u32 s17, $0x78;
	v19 =	vld [tilespmem:s15+$0xFFFFFFE0];
	v8 =	vmul.f32 v12, v8;
	v12 =	vmov s8;
	v7 =	vmul.f32 v11, v7  }
0x7b: {  	v11 =	vld [tilespmem:s16+$0x10];
	v10 =	vmul.f32 v14, v10;
	v9 =	vmul.f32 v13, v9;
	v13 =	vmov s0  }
0x7c: {  	v12 =	vshll.u32 v12, $0x3;
	v14 =	vld [tilespmem:s2+$0xFFFFFFF0];
	v3 =	vmul.f32 v8, v3;
	v20 =	vmul.f32 v7, v7  }
0x7d: {  	v13 =	vshll.u32 v13, $0x3;
	v21 =	vld [tilespmem:s15+$0xFFFFFFF0];
	v4 =	vmul.f32 v10, v4;
	v5 =	vmul.f32 v9, v5;
	[tilespmem:v15+s19+$0x0] =	vst.idx.msk $0xffff, v7  }
0x7e: {  	v6 =	vshll.u32 v6, $0x3;
	v15 =	vmul.f32 v16, v16;
	v7 =	vld [tilespmem:s2+$0x0];
	v16 =	vmul.f32 v17, v17;
	[tilespmem:v18+s19+$0x0] =	vst.idx.msk $0xffff, v20  }
0x7f: {  	v12 =	vor.u32 v0, v12;
	v3 =	vmul.f32 v3, v8;
	v17 =	vmul.f32 v19, v19;
	v18 =	vld [tilespmem:s15+$0x0]  }
0x80: {  	v4 =	vmul.f32 v4, v10;
	v19 =	vld [tilespmem:s2+$0xFFFFFFE0];
	v15 =	vadd.f32 v16, v15;
	v11 =	vmul.f32 v11, v11  }
0x81: {  	v5 =	vmul.f32 v5, v9;
	v3 =	vsub.f32 $1.500000000e+00, v3;
	v16 =	vld [tilespmem:s16+$0xFFFFFFE0];
	v14 =	vmul.f32 v14, v14  }
0x82: {  	v4 =	vsub.f32 $1.500000000e+00, v4;
	v20 =	vld [tilespmem:s16+$0xFFFFFFF0];
	v21 =	vmul.f32 v21, v21;
	v11 =	vadd.f32 v11, v15  }
0x83: {  	v22 =	vmul.f32 v3, v8;
	v3 =	vsub.f32 $1.500000000e+00, v5;
	v15 =	vld [tilespmem:s16+$0x0];
	v7 =	vmul.f32 v7, v7  }
0x84: {  	v5 =	vmul.f32 v18, v18;
	v18 =	vmul.f32 $5.000000000e-01, v11;
	v8 =	vshra.s32 v11, $0x1  }
0x85: {  	v14 =	vadd.f32 v21, v14;
	v11 =	vmul.f32 v19, v19;
	v8 =	vsub.s32 $0x5F3759DF, v8  }
0x86: {  	v16 =	vmul.f32 v16, v16;
	v5 =	vadd.f32 v5, v7;
	v7 =	vmul.f32 v8, v18  }
0x87: {  	v10 =	vmul.f32 v4, v10;
	v11 =	vadd.f32 v17, v11;
	v17 =	vmul.f32 v20, v20  }
0x88: {  	v13 =	vor.u32 v0, v13;
	v4 =	vmul.f32 v15, v15;
	v7 =	vmul.f32 v8, v7  }
0x89: {  	v9 =	vmul.f32 v3, v9;
	v11 =	vadd.f32 v16, v11;
	v14 =	vadd.f32 v17, v14  }
0x8a: {  	v16 =	vmul.f32 v22, v22;
	v15 =	vadd.f32 v4, v5;
	v7 =	vsub.f32 $1.500000000e+00, v7;
	[tilespmem:v12+s19+$0x0] =	vst.idx.msk $0xffff, v10  }
0x8b: {  	v3 =	vmul.f32 $5.000000000e-01, v11;
	v11 =	vshra.s32 v11, $0x1;
	v4 =	vmul.f32 $5.000000000e-01, v14  }
0x8c: {  	v14 =	vshra.s32 v14, $0x1;
	v5 =	vmul.f32 $5.000000000e-01, v15;
	v7 =	vmul.f32 v8, v7  }
0x8d: {  	v8 =	vsub.s32 $0x5F3759DF, v11;
	v11 =	vsub.s32 $0x5F3759DF, v14;
	v14 =	vshra.s32 v15, $0x1;
	[tilespmem:v13+s19+$0x0] =	vst.idx.msk $0xffff, v9  }
0x8e: {  	v15 =	vmul.f32 v8, v3;
	v14 =	vsub.s32 $0x5F3759DF, v14;
	v17 =	vmul.f32 v7, v18  }
0x8f: {  	v6 =	vor.u32 v0, v6;
	v19 =	vmul.f32 v11, v4;
	v20 =	vmul.f32 v14, v5  }
0x90: {  	v12 =	vor.u32 $0x1, v12;
	v15 =	vmul.f32 v8, v15;
	v17 =	vmul.f32 v17, v7  }
0x91: {  	v13 =	vor.u32 $0x1, v13;
	v19 =	vmul.f32 v11, v19;
	v20 =	vmul.f32 v14, v20  }
0x92: {  	v21 =	vmul.f32 v10, v10;
	v15 =	vsub.f32 $1.500000000e+00, v15;
	v17 =	vsub.f32 $1.500000000e+00, v17  }
0x93: {  	v10 =	vsub.f32 $1.500000000e+00, v19;
	v19 =	vsub.f32 $1.500000000e+00, v20;
	v20 =	vmul.f32 v9, v9  }
0x94: {  	v8 =	vmul.f32 v8, v15;
	v7 =	vmul.f32 v17, v7;
	[tilespmem:v6+s19+$0x0] =	vst.idx.msk $0xffff, v22;
	v17 =	vor.u32 $0x1, v6  }
.Ltmp2:
0x95: {  	v10 =	vmul.f32 v11, v10;
	v9 =	vmul.f32 v14, v19;
	[tilespmem:v12+s19+$0x0] =	vst.idx.msk $0xffff, v21;
	(pc) =	sbr.rel @p1 .LBB2_3-.Ltmp2, $4  }
0x96: {  	s12 =	sadd.s32 $0x40, s12;
	v11 =	vmul.f32 v8, v3;
	v14 =	vmul.f32 v7, v18;
	[tilespmem:v13+s19+$0x0] =	vst.idx.msk $0xffff, v20  }
0x97: {  	s18 =	sadd.s32 $0x30, s12;
	s8 =	sadd.s32 $0x10, s12;
	s0 =	sadd.s32 $0x20, s12;
	v6 =	vmov s12;
	v13 =	vmul.f32 v10, v4;
	v15 =	vmul.f32 v9, v5  }
0x98: {  	v18 =	vmov s18;
	v12 =	vmul.f32 v11, v8;
	v11 =	vmul.f32 v14, v7  }
0x99: {  	s2 =	sadd.s32 $0x40, s2;
	v14 =	vmul.f32 v13, v10;
	v13 =	vmul.f32 v15, v9;
	v15 =	vshll.u32 v18, $0x3;
	[tilespmem:v17+s19+$0x0] =	vst.idx.msk $0xffff, v16  }
0x9a: {  	v12 =	vsub.f32 $1.500000000e+00, v12  }
0x9b: {  	v11 =	vsub.f32 $1.500000000e+00, v11;
	v14 =	vsub.f32 $1.500000000e+00, v14  }
0x9c: {  	v6 =	vshll.u32 v6, $0x3;
	v13 =	vsub.f32 $1.500000000e+00, v13;
	v8 =	vmul.f32 v12, v8  }
0x9d: {  	v15 =	vor.u32 v0, v15;
	v6 =	vor.u32 v0, v6;
	v10 =	vmul.f32 v14, v10  }
0x9e: {  	v12 =	vmov s8;
	v9 =	vmul.f32 v13, v9;
	v3 =	vmul.f32 v8, v3  }
0x9f: {  	v7 =	vmul.f32 v11, v7;
	v11 =	vmov s0;
	v4 =	vmul.f32 v10, v4  }
0xa0: {  	v14 =	vor.u32 $0x1, v15;
	v5 =	vmul.f32 v9, v5;
	v3 =	vmul.f32 v3, v8  }
0xa1: {  	v12 =	vshll.u32 v12, $0x3;
	v11 =	vshll.u32 v11, $0x3;
	v4 =	vmul.f32 v4, v10  }
0xa2: {  	v12 =	vor.u32 v0, v12;
	v5 =	vmul.f32 v5, v9;
	v3 =	vsub.f32 $1.500000000e+00, v3  }
0xa3: {  	v11 =	vor.u32 v0, v11;
	v13 =	vmul.f32 v7, v7;
	v4 =	vsub.f32 $1.500000000e+00, v4  }
0xa4: {  	[tilespmem:v15+s19+$0x0] =	vst.idx.msk $0xffff, v7;
	v7 =	vor.u32 $0x1, v12;
	v5 =	vsub.f32 $1.500000000e+00, v5;
	v3 =	vmul.f32 v3, v8  }
0xa5: {  	[tilespmem:v14+s19+$0x0] =	vst.idx.msk $0xffff, v13;
	v8 =	vor.u32 $0x1, v6;
	v4 =	vmul.f32 v4, v10  }
0xa6: {  	v5 =	vmul.f32 v5, v9;
	v9 =	vor.u32 $0x1, v11;
	[tilespmem:v6+s19+$0x0] =	vst.idx.msk $0xffff, v3  }
0xa7: {  	[tilespmem:v12+s19+$0x0] =	vst.idx.msk $0xffff, v4;
	v4 =	vmul.f32 v4, v4  }
0xa8: {  	v3 =	vmul.f32 v3, v3;
	[tilespmem:v11+s19+$0x0] =	vst.idx.msk $0xffff, v5  }
0xa9: {  	v5 =	vmul.f32 v5, v5;
	[tilespmem:v7+s19+$0x0] =	vst.idx.msk $0xffff, v4  }
0xaa: {  	[tilespmem:v8+s19+$0x0] =	vst.idx.msk $0xffff, v3  }
0xab: {  	[tilespmem:v9+s19+$0x0] =	vst.idx.msk $0xffff, v5  }
0xac: {  	v3 =	vld [tilespmem:$0x7C0]  }
0xad: {  	v4 =	vld [tilespmem:$0xF90];
	_ =	sdelay $0x1  }
0xae: {  	v5 =	vld [tilespmem:$0x1760];
	_ =	sdelay $0x2  }
0xaf: {  	v3 =	vmul.f32 v3, v3;
	v4 =	vmul.f32 v4, v4;
	_ =	sdelay $0x1  }
0xb0: {  	v3 =	vadd.f32 v4, v3;
	v4 =	vmul.f32 v5, v5;
	_ =	sdelay $0x1  }
0xb1: {  	v3 =	vadd.f32 v4, v3;
	_ =	sdelay $0x1  }
0xb2: {  	v4 =	vmul.f32 $5.000000000e-01, v3;
	v3 =	vshra.s32 v3, $0x1  }
0xb3: {  	v3 =	vsub.s32 $0x5F3759DF, v3  }
0xb4: {  	v5 =	vmul.f32 v3, v4;
	_ =	sdelay $0x1  }
0xb5: {  	v5 =	vmul.f32 v3, v5;
	_ =	sdelay $0x1  }
0xb6: {  	v5 =	vsub.f32 $1.500000000e+00, v5;
	_ =	sdelay $0x1  }
0xb7: {  	v3 =	vmul.f32 v3, v5;
	_ =	sdelay $0x1  }
0xb8: {  	v5 =	vmul.f32 v3, v4;
	_ =	sdelay $0x1  }
0xb9: {  	v5 =	vmul.f32 v5, v3;
	_ =	sdelay $0x1  }
0xba: {  	v5 =	vsub.f32 $1.500000000e+00, v5;
	_ =	sdelay $0x1  }
0xbb: {  	v3 =	vmul.f32 v5, v3;
	_ =	sdelay $0x1  }
0xbc: {  	v4 =	vmul.f32 v3, v4;
	_ =	sdelay $0x1  }
0xbd: {  	v4 =	vmul.f32 v4, v3;
	_ =	sdelay $0x1  }
0xbe: {  	v4 =	vsub.f32 $1.500000000e+00, v4;
	_ =	sdelay $0x1  }
0xbf: {  	v3 =	vmul.f32 v4, v3;
	_ =	sdelay $0x1  }
0xc0: {  	v4 =	vmul.f32 v3, v3  }
0xc1: {  	[tilespmem:v1+s19+$0x0] =	vst.idx.msk $0xffff, v3  }
0xc2: {  	[tilespmem:v2+s19+$0x0] =	vst.idx.msk $0xffff, v4  }
0xc3: {  	[spmem:s3] =	stream.indirect.scatter.add.f32 [tilespmem:s19], [sflag:$0x3], $0x8, s23, s21, $0xb8;
	[tilespmem:$0x17ED0] =	vst v63  }
0xc4: {  	_ =	swait.ge [sflag:s30], $0x7D0  }
0xc5: {  	[sflag:s30] =	ssyncset.done $0x0  }
0xc6: {  	[sflag:s30] =	ssyncadd.s32 $0xFFFFF830  }
0xc7: {  	_ =	swait.ge [sflag:s30], $0x7D0  }
0xc8: {  	[sflag:s30] =	ssyncset.done $0x0  }
0xc9: {  	[sflag:s30] =	ssyncadd.s32 $0xFFFFF830  }
0xca: {  	_ =	swait.ge [sflag:s30], $0x7D0  }
0xcb: {  	[sflag:s30] =	ssyncset.done $0x0  }
0xcc: {  	[sflag:s30] =	ssyncadd.s32 $0xFFFFF830  }
0xcd: {  	_ =	swait.ge [sflag:s30], $0x7D0  }
0xce: {  	[sflag:s30] =	ssyncset.done $0x0  }
0xcf: {  	s17 =	simm.s32 $0x5DE0;
	[sflag:s30] =	ssyncadd.s32 $0xFFFFF830  }
0xd0: {  	s12 =	simm.s32 $0x65B0;
	v3 =	vld [tilespmem:s17+$0x10]  }
0xd1: {  	v4 =	vld [tilespmem:s12+$0x10]  }
0xd2: {  	s15 =	simm.s32 $0x6D80;
	v5 =	vld [tilespmem:s12+$0xFFFFFFE0]  }
0xd3: {  	v6 =	vld [tilespmem:s15+$0x10]  }
0xd4: {  	v7 =	vld [tilespmem:s17+$0xFFFFFFF0]  }
0xd5: {  	v8 =	vld [tilespmem:s12+$0xFFFFFFF0]  }
0xd6: {  	v9 =	vld [tilespmem:s17+$0x0];
	v3 =	vmul.f32 v3, v3;
	v4 =	vmul.f32 v4, v4  }
0xd7: {  	v10 =	vld [tilespmem:s12+$0x0]  }
0xd8: {  	v11 =	vld [tilespmem:s17+$0xFFFFFFE0];
	v3 =	vadd.f32 v4, v3;
	v4 =	vmul.f32 v6, v6  }
0xd9: {  	v12 =	vld [tilespmem:s15+$0xFFFFFFF0]  }
0xda: {  	v6 =	vld [tilespmem:s15+$0xFFFFFFE0];
	v3 =	vadd.f32 v4, v3  }
0xdb: {  	v4 =	vmul.f32 v5, v5;
	v5 =	vmul.f32 v7, v7;
	v7 =	vld [tilespmem:s15+$0x0]  }
0xdc: {  	v8 =	vmul.f32 v8, v8;
	v13 =	vmul.f32 $5.000000000e-01, v3;
	v3 =	vshra.s32 v3, $0x1  }
0xdd: {  	v9 =	vmul.f32 v9, v9;
	v11 =	vmul.f32 v11, v11;
	v14 =	vsub.s32 $0x5F3759DF, v3  }
0xde: {  	v5 =	vadd.f32 v8, v5;
	v3 =	vmul.f32 v10, v10;
	v8 =	vmul.f32 v14, v13  }
0xdf: {  	v4 =	vadd.f32 v4, v11;
	v6 =	vmul.f32 v6, v6;
	v10 =	vmul.f32 v12, v12  }
0xe0: {  	v3 =	vadd.f32 v3, v9;
	v7 =	vmul.f32 v7, v7;
	v8 =	vmul.f32 v14, v8  }
0xe1: {  	v4 =	vadd.f32 v6, v4;
	v5 =	vadd.f32 v10, v5  }
0xe2: {  	v6 =	vadd.f32 v7, v3;
	v7 =	vsub.f32 $1.500000000e+00, v8  }
0xe3: {  	v3 =	vmul.f32 $5.000000000e-01, v4;
	v9 =	vshra.s32 v5, $0x1;
	v8 =	vshra.s32 v4, $0x1  }
0xe4: {  	v4 =	vmul.f32 $5.000000000e-01, v5;
	v9 =	vsub.s32 $0x5F3759DF, v9;
	v7 =	vmul.f32 v14, v7  }
0xe5: {  	v5 =	vmul.f32 $5.000000000e-01, v6;
	v8 =	vsub.s32 $0x5F3759DF, v8;
	v6 =	vshra.s32 v6, $0x1  }
0xe6: {  	v10 =	vmul.f32 v8, v3;
	v6 =	vsub.s32 $0x5F3759DF, v6;
	v11 =	vmul.f32 v7, v13  }
0xe7: {  	v12 =	vmul.f32 v9, v4;
	v14 =	vmul.f32 v6, v5  }
0xe8: {  	v10 =	vmul.f32 v8, v10;
	v11 =	vmul.f32 v11, v7  }
0xe9: {  	v12 =	vmul.f32 v9, v12;
	v14 =	vmul.f32 v6, v14  }
0xea: {  	v10 =	vsub.f32 $1.500000000e+00, v10;
	v11 =	vsub.f32 $1.500000000e+00, v11  }
0xeb: {  	v12 =	vsub.f32 $1.500000000e+00, v12;
	v14 =	vsub.f32 $1.500000000e+00, v14  }
0xec: {  	v8 =	vmul.f32 v8, v10;
	v7 =	vmul.f32 v11, v7  }
0xed: {  	v10 =	vmul.f32 v9, v12;
	v9 =	vmul.f32 v6, v14  }
0xee: {  	s18 =	simm.s32 $0x30;
	v11 =	vmul.f32 v8, v3;
	v13 =	vmul.f32 v7, v13  }
0xef: {  	s16 =	simm.s32 $0x0;
	v16 =	vmov s18;
	v14 =	vmul.f32 v10, v4;
	v15 =	vmul.f32 v9, v5  }
0xf0: {  	s2 =	simm.s32 $0x5E20;
	v6 =	vmov s16;
	v12 =	vmul.f32 v11, v8;
	v11 =	vmul.f32 v13, v7  }
0xf1: {  	s8 =	simm.s32 $0x10;
	s0 =	simm.s32 $0x20;
	s17 =	simm.s32 $0x0;
	v14 =	vmul.f32 v14, v10;
	v13 =	vmul.f32 v15, v9;
	v15 =	vshll.u32 v16, $0x3  }
.LBB2_5:
0xf2: {  	v16 =	vld [tilespmem:s2+$0x10];
	v12 =	vsub.f32 $1.500000000e+00, v12;
	v11 =	vsub.f32 $1.500000000e+00, v11;
	v15 =	vor.u32 v0, v15;
	s12 =	sadd.s32 $0x40, s12  }
0xf3: {  	s17 =	sadd.s32 $0x4, s17;
	v17 =	vld [tilespmem:s12+$0x10];
	v14 =	vsub.f32 $1.500000000e+00, v14;
	v13 =	vsub.f32 $1.500000000e+00, v13;
	v18 =	vor.u32 $0x1, v15  }
0xf4: {  	s15 =	sadd.s32 $0x40, s15;
	p1 =	slt.u32 s17, $0x78;
	v19 =	vld [tilespmem:s12+$0xFFFFFFE0];
	v8 =	vmul.f32 v12, v8;
	v12 =	vmov s8;
	v7 =	vmul.f32 v11, v7  }
0xf5: {  	v11 =	vld [tilespmem:s15+$0x10];
	v10 =	vmul.f32 v14, v10;
	v9 =	vmul.f32 v13, v9;
	v13 =	vmov s0  }
0xf6: {  	v12 =	vshll.u32 v12, $0x3;
	v14 =	vld [tilespmem:s2+$0xFFFFFFF0];
	v3 =	vmul.f32 v8, v3;
	v20 =	vmul.f32 v7, v7  }
0xf7: {  	v13 =	vshll.u32 v13, $0x3;
	v21 =	vld [tilespmem:s12+$0xFFFFFFF0];
	v4 =	vmul.f32 v10, v4;
	v5 =	vmul.f32 v9, v5;
	[tilespmem:v15+s20+$0x0] =	vst.idx.msk $0xffff, v7  }
0xf8: {  	v6 =	vshll.u32 v6, $0x3;
	v15 =	vmul.f32 v16, v16;
	v7 =	vld [tilespmem:s2+$0x0];
	v16 =	vmul.f32 v17, v17;
	[tilespmem:v18+s20+$0x0] =	vst.idx.msk $0xffff, v20  }
0xf9: {  	v12 =	vor.u32 v0, v12;
	v3 =	vmul.f32 v3, v8;
	v17 =	vmul.f32 v19, v19;
	v18 =	vld [tilespmem:s12+$0x0]  }
0xfa: {  	v4 =	vmul.f32 v4, v10;
	v19 =	vld [tilespmem:s2+$0xFFFFFFE0];
	v15 =	vadd.f32 v16, v15;
	v11 =	vmul.f32 v11, v11  }
0xfb: {  	v5 =	vmul.f32 v5, v9;
	v3 =	vsub.f32 $1.500000000e+00, v3;
	v16 =	vld [tilespmem:s15+$0xFFFFFFE0];
	v14 =	vmul.f32 v14, v14  }
0xfc: {  	v4 =	vsub.f32 $1.500000000e+00, v4;
	v20 =	vld [tilespmem:s15+$0xFFFFFFF0];
	v21 =	vmul.f32 v21, v21;
	v11 =	vadd.f32 v11, v15  }
0xfd: {  	v22 =	vmul.f32 v3, v8;
	v3 =	vsub.f32 $1.500000000e+00, v5;
	v15 =	vld [tilespmem:s15+$0x0];
	v7 =	vmul.f32 v7, v7  }
0xfe: {  	v5 =	vmul.f32 v18, v18;
	v18 =	vmul.f32 $5.000000000e-01, v11;
	v8 =	vshra.s32 v11, $0x1  }
0xff: {  	v14 =	vadd.f32 v21, v14;
	v11 =	vmul.f32 v19, v19;
	v8 =	vsub.s32 $0x5F3759DF, v8  }
0x100: {  	v16 =	vmul.f32 v16, v16;
	v5 =	vadd.f32 v5, v7;
	v7 =	vmul.f32 v8, v18  }
0x101: {  	v10 =	vmul.f32 v4, v10;
	v11 =	vadd.f32 v17, v11;
	v17 =	vmul.f32 v20, v20  }
0x102: {  	v13 =	vor.u32 v0, v13;
	v4 =	vmul.f32 v15, v15;
	v7 =	vmul.f32 v8, v7  }
0x103: {  	v9 =	vmul.f32 v3, v9;
	v11 =	vadd.f32 v16, v11;
	v14 =	vadd.f32 v17, v14  }
0x104: {  	v16 =	vmul.f32 v22, v22;
	v15 =	vadd.f32 v4, v5;
	v7 =	vsub.f32 $1.500000000e+00, v7;
	[tilespmem:v12+s20+$0x0] =	vst.idx.msk $0xffff, v10  }
0x105: {  	v3 =	vmul.f32 $5.000000000e-01, v11;
	v11 =	vshra.s32 v11, $0x1;
	v4 =	vmul.f32 $5.000000000e-01, v14  }
0x106: {  	v14 =	vshra.s32 v14, $0x1;
	v5 =	vmul.f32 $5.000000000e-01, v15;
	v7 =	vmul.f32 v8, v7  }
0x107: {  	v8 =	vsub.s32 $0x5F3759DF, v11;
	v11 =	vsub.s32 $0x5F3759DF, v14;
	v14 =	vshra.s32 v15, $0x1;
	[tilespmem:v13+s20+$0x0] =	vst.idx.msk $0xffff, v9  }
0x108: {  	v15 =	vmul.f32 v8, v3;
	v14 =	vsub.s32 $0x5F3759DF, v14;
	v17 =	vmul.f32 v7, v18  }
0x109: {  	v6 =	vor.u32 v0, v6;
	v19 =	vmul.f32 v11, v4;
	v20 =	vmul.f32 v14, v5  }
0x10a: {  	v12 =	vor.u32 $0x1, v12;
	v15 =	vmul.f32 v8, v15;
	v17 =	vmul.f32 v17, v7  }
0x10b: {  	v13 =	vor.u32 $0x1, v13;
	v19 =	vmul.f32 v11, v19;
	v20 =	vmul.f32 v14, v20  }
0x10c: {  	v21 =	vmul.f32 v10, v10;
	v15 =	vsub.f32 $1.500000000e+00, v15;
	v17 =	vsub.f32 $1.500000000e+00, v17  }
0x10d: {  	v10 =	vsub.f32 $1.500000000e+00, v19;
	v19 =	vsub.f32 $1.500000000e+00, v20;
	v20 =	vmul.f32 v9, v9  }
0x10e: {  	v8 =	vmul.f32 v8, v15;
	v7 =	vmul.f32 v17, v7;
	[tilespmem:v6+s20+$0x0] =	vst.idx.msk $0xffff, v22;
	v17 =	vor.u32 $0x1, v6  }
.Ltmp3:
0x10f: {  	v10 =	vmul.f32 v11, v10;
	v9 =	vmul.f32 v14, v19;
	[tilespmem:v12+s20+$0x0] =	vst.idx.msk $0xffff, v21;
	(pc) =	sbr.rel @p1 .LBB2_5-.Ltmp3, $4  }
0x110: {  	s16 =	sadd.s32 $0x40, s16;
	v11 =	vmul.f32 v8, v3;
	v14 =	vmul.f32 v7, v18;
	[tilespmem:v13+s20+$0x0] =	vst.idx.msk $0xffff, v20  }
0x111: {  	s18 =	sadd.s32 $0x30, s16;
	s8 =	sadd.s32 $0x10, s16;
	s0 =	sadd.s32 $0x20, s16;
	v6 =	vmov s16;
	v13 =	vmul.f32 v10, v4;
	v15 =	vmul.f32 v9, v5  }
0x112: {  	v18 =	vmov s18;
	v12 =	vmul.f32 v11, v8;
	v11 =	vmul.f32 v14, v7  }
0x113: {  	s2 =	sadd.s32 $0x40, s2;
	v14 =	vmul.f32 v13, v10;
	v13 =	vmul.f32 v15, v9;
	v15 =	vshll.u32 v18, $0x3;
	[tilespmem:v17+s20+$0x0] =	vst.idx.msk $0xffff, v16  }
0x114: {  	v12 =	vsub.f32 $1.500000000e+00, v12  }
0x115: {  	v11 =	vsub.f32 $1.500000000e+00, v11;
	v14 =	vsub.f32 $1.500000000e+00, v14  }
0x116: {  	v15 =	vor.u32 v0, v15;
	v13 =	vsub.f32 $1.500000000e+00, v13;
	v8 =	vmul.f32 v12, v8  }
0x117: {  	v56 =	vmov s8;
	v57 =	vmov s0;
	v10 =	vmul.f32 v14, v10  }
0x118: {  	v6 =	vshll.u32 v6, $0x3;
	v9 =	vmul.f32 v13, v9;
	v3 =	vmul.f32 v8, v3  }
0x119: {  	v55 =	vor.u32 $0x1, v15;
	v7 =	vmul.f32 v11, v7;
	v4 =	vmul.f32 v10, v4  }
0x11a: {  	v6 =	vor.u32 v0, v6;
	v5 =	vmul.f32 v9, v5;
	v3 =	vmul.f32 v3, v8  }
0x11b: {  	v12 =	vshll.u32 v56, $0x3;
	v11 =	vshll.u32 v57, $0x3;
	v4 =	vmul.f32 v4, v10  }
0x11c: {  	v12 =	vor.u32 v0, v12;
	v5 =	vmul.f32 v5, v9;
	v3 =	vsub.f32 $1.500000000e+00, v3  }
0x11d: {  	v11 =	vor.u32 v0, v11;
	v58 =	vmul.f32 v7, v7;
	v4 =	vsub.f32 $1.500000000e+00, v4  }
0x11e: {  	v61 =	vor.u32 $0x1, v6;
	[tilespmem:v15+s20+$0x0] =	vst.idx.msk $0xffff, v7;
	v5 =	vsub.f32 $1.500000000e+00, v5;
	v3 =	vmul.f32 v3, v8  }
0x11f: {  	v59 =	vor.u32 $0x1, v12;
	[tilespmem:v55+s20+$0x0] =	vst.idx.msk $0xffff, v58;
	v4 =	vmul.f32 v4, v10  }
0x120: {  	v60 =	vor.u32 $0x1, v11;
	v5 =	vmul.f32 v5, v9;
	[tilespmem:v6+s20+$0x0] =	vst.idx.msk $0xffff, v3  }
0x121: {  	v3 =	vmul.f32 v3, v3;
	[tilespmem:v12+s20+$0x0] =	vst.idx.msk $0xffff, v4  }
0x122: {  	[tilespmem:v11+s20+$0x0] =	vst.idx.msk $0xffff, v5;
	v4 =	vmul.f32 v4, v4  }
0x123: {  	v5 =	vmul.f32 v5, v5;
	[tilespmem:v61+s20+$0x0] =	vst.idx.msk $0xffff, v3  }
0x124: {  	[tilespmem:v59+s20+$0x0] =	vst.idx.msk $0xffff, v4  }
0x125: {  	[tilespmem:v60+s20+$0x0] =	vst.idx.msk $0xffff, v5  }
0x126: {  	v3 =	vld [tilespmem:$0x6580]  }
0x127: {  	v4 =	vld [tilespmem:$0x6D50];
	_ =	sdelay $0x1  }
0x128: {  	v5 =	vld [tilespmem:$0x7520];
	_ =	sdelay $0x2  }
0x129: {  	v3 =	vmul.f32 v3, v3;
	v4 =	vmul.f32 v4, v4;
	_ =	sdelay $0x1  }
0x12a: {  	v62 =	vmul.f32 v5, v5;
	v3 =	vadd.f32 v4, v3;
	_ =	sdelay $0x1  }
0x12b: {  	v3 =	vadd.f32 v62, v3;
	_ =	sdelay $0x1  }
0x12c: {  	v4 =	vmul.f32 $5.000000000e-01, v3;
	v3 =	vshra.s32 v3, $0x1  }
0x12d: {  	v3 =	vsub.s32 $0x5F3759DF, v3  }
0x12e: {  	v63 =	vmul.f32 v3, v4;
	_ =	sdelay $0x1  }
0x12f: {  	v5 =	vmul.f32 v3, v63;
	_ =	sdelay $0x1  }
0x130: {  	v5 =	vsub.f32 $1.500000000e+00, v5;
	_ =	sdelay $0x1  }
0x131: {  	v3 =	vmul.f32 v3, v5;
	_ =	sdelay $0x1  }
0x132: {  	v5 =	vmul.f32 v3, v4;
	_ =	sdelay $0x1  }
0x133: {  	v5 =	vmul.f32 v5, v3;
	_ =	sdelay $0x1  }
0x134: {  	v5 =	vsub.f32 $1.500000000e+00, v5;
	_ =	sdelay $0x1  }
0x135: {  	v3 =	vmul.f32 v5, v3;
	_ =	sdelay $0x1  }
0x136: {  	v4 =	vmul.f32 v3, v4;
	_ =	sdelay $0x1  }
0x137: {  	v4 =	vmul.f32 v4, v3;
	_ =	sdelay $0x1  }
0x138: {  	v4 =	vsub.f32 $1.500000000e+00, v4;
	_ =	sdelay $0x1  }
0x139: {  	v3 =	vmul.f32 v4, v3;
	_ =	sdelay $0x1  }
0x13a: {  	p1 =	seq.s32 s10, $0x31;
	v4 =	vmul.f32 v3, v3  }
.Ltmp4:
0x13b: {  	[tilespmem:v1+s20+$0x0] =	vst.idx.msk $0xffff, v3;
	(pc) =	sbr.rel @p1 .LBB2_8-.Ltmp4, $4  }
0x13c: {  	[tilespmem:v2+s20+$0x0] =	vst.idx.msk $0xffff, v4  }
0x13d: {  	_ =	swait.ge [sflag:s31], $0x3E80  }
0x13e: {  	[sflag:s31] =	ssyncset.done $0x0  }
0x13f: {  	[sflag:s31] =	ssyncadd.s32 $0xFFFFC180  }
0x140: {  	s0 =	sadd.s32 s11, s14  }
0x141: {  	s0 =	sshrl.u32 s0, $0x3  }
0x142: {  	s2 =	sadd.s32 s5, s0  }
0x143: {  	[tilespmem:s4], [sflag:$0x1] =	stream.linear.gather [hbm4b:s2+s4], $0x7D0, $0x38;
	[tilespmem:$0x17ED0] =	vst v63  }
0x144: {  	s17 =	sadd.s32 s6, s0  }
0x145: {  	[tilespmem:s21], [sflag:$0x1] =	stream.linear.gather [hbm4b:s17+s4], $0x7D0, $0x38;
	[tilespmem:$0x17ED0] =	vst v63  }
0x146: {  	s18 =	sadd.s32 s7, s0  }
0x147: {  	[tilespmem:s22], [sflag:$0x1] =	stream.linear.gather [hbm4b:s18+s4], $0x7D0, $0x38;
	[tilespmem:$0x17ED0] =	vst v63  }
.Ltmp5:
0x148: {  	_ = 	snop;
	(pc) =	sbr.rel .LBB2_2-.Ltmp5, $4  }
0x149: {  	s0 =	sadd.s32 s1, s0  }
0x14a: {  	[tilespmem:s23], [sflag:$0x1] =	stream.linear.gather [hbm4b:s0+s4], $0x7D0, $0x38;
	[tilespmem:$0x17ED0] =	vst v63  }
0x14b: {  	s10 =	sadd.s32 $0x1, s10  }
0x14c: {  	[spmem:s3] =	stream.indirect.scatter.add.f32 [tilespmem:s20], [sflag:$0x4], $0x8, s28, s21, $0xb8;
	[tilespmem:$0x17ED0] =	vst v63  }
.LBB2_9:
0x14d: {  	_ =	sfence.sel $0x180000  }
0x14e: {  	[bflag:$0x0] =	sbarrier.arrive $0xFFFF  }
0x14f: {  	_ =	strace $0x90000047  }
0x150: {  	[bflag:$0x2] =	sbarrier.arrive $0xFFFF  }
0x151: {  	s0 =	rddreg [dreg:$0x4]  }
0x152: {  	s0 =	sadd.s32 @!p0 $0x100000, s0  }
0x153: {  	[sflag:s0] =	ssyncadd.tile.s32 @!p0 $0x1;
	_ =	shalt  }
.Lfunc_end2:
_tile_overlayer_lowered:
.L_overlay_start_2:
0x154: {  	(tag) =	ssettag $0x2  }
0x155: {  	s0 =	rddreg [dreg:$0x0];
	s2 =	stileid.u32  }
0x156: {  	s1 =	rddreg [dreg:$0x1];
	p0 =	sne.s32 s2, $0x0  }
0x157: {  	s3 =	rddreg [dreg:$0x2];
	[bflag:$0x3] =	sbarrier.arrive $0xFFFF;
	s2 =	simm.s32 @!p0 $0x1C05  }
0x158: {  	[timem:s3], [sflag:s2] =	dma.local @!p0 [hbm:s0], s1  }
0x159: {  	s0 =	simm.s32 @!p0 $0x5  }
0x15a: {  	_ =	swait.ge @!p0 [sflag:s0], s1  }
0x15b: {  	s1 =	ssub.s32 @!p0 $0x0, s1;
	[sflag:s0] =	ssyncset.done @!p0 $0x0  }
0x15c: {  	[sflag:s0] =	ssyncadd.s32 @!p0 s1  }
0x15d: {  	[bflag:$0x3] =	sbarrier.arrive $0xFFFF  }
0x15e: {  	_ =	shalt  }

</sc_bundles>
